<compile_context>
chip_gen: v7x
topology: tpu7x:2x2x1
jax: 0.10.2.dev20260603
libtpu: 0.0.44.dev20260713+nightly
codegen_flags: <defaults>
</compile_context>

<pallas_src>
import functools

import jax
import jax.numpy as jnp
from jax import lax
from jax.experimental import pallas as pl
from jax.experimental.pallas import tpu as pltpu
from jax.experimental.pallas import tpu_sc as plsc

N = 10000
NP = 10240
E = 320000
F_IN = 128
F_OUT = 64

NC = 2
NS = 16
NW = NC * NS
EPT = E // NW
CHUNK = 125
NCHUNK = EPT // CHUNK
G = 20
NG = NCHUNK // G
HB = 64
RPT = NP // NS
FH = 16

_MESH = plsc.VectorSubcoreMesh(core_axis_name="c", subcore_axis_name="s")

BN = 1000
GRID = N // BN



@functools.partial(
    pl.kernel,
    out_type=jax.ShapeDtypeStruct((NC, NP, FH), jnp.float32),
    mesh=_MESH,
    scratch_types=[
        pltpu.VMEM((NCHUNK, CHUNK), jnp.int32),
        pltpu.VMEM((CHUNK, FH), jnp.float32),
        pltpu.VMEM_SHARED((NP, FH), jnp.float32),
    ],
    compiler_params=pltpu.CompilerParams(use_tc_tiling_on_sc=False),
)
def _hist(col_hbm, ones_hbm, zeros_hbm, out_hbm, col_v, ones_v, acc):
    cid = lax.axis_index("c")
    sid = lax.axis_index("s")
    wid = cid * NS + sid
    pltpu.sync_copy(col_hbm.at[wid], col_v)
    pltpu.sync_copy(ones_hbm, ones_v)
    pltpu.sync_copy(zeros_hbm, acc.at[pl.ds(sid * RPT, RPT)])
    plsc.subcore_barrier()

    def body(j, carry):
        pltpu.sync_copy(ones_v, acc.at[col_v.at[j]], add=True)
        return carry

    lax.fori_loop(0, NCHUNK, body, 0)
    plsc.subcore_barrier()
    pltpu.sync_copy(acc.at[pl.ds(sid * RPT, RPT)],
                    out_hbm.at[cid, pl.ds(sid * RPT, RPT)])


@functools.partial(
    pl.kernel,
    out_type=jax.ShapeDtypeStruct((NC, NP, F_IN), jnp.float32),
    mesh=_MESH,
    scratch_types=[
        pltpu.VMEM((2 * G, CHUNK), jnp.int32),
        pltpu.VMEM((2 * G, CHUNK), jnp.int32),
        pltpu.VMEM((CHUNK, F_IN), jnp.float32),
        pltpu.VMEM((CHUNK, F_IN), jnp.float32),
        pltpu.VMEM_SHARED((NP, F_IN), jnp.float32),
        pltpu.SemaphoreType.DMA,
        pltpu.SemaphoreType.DMA,
        pltpu.SemaphoreType.DMA,
        pltpu.SemaphoreType.DMA,
    ],
)
def _prop(g_hbm, ei_hbm, zeros_hbm, out_hbm,
          slab0, slab1, buf0, buf1, acc, sem0, sem1, ssem0, ssem1):
    cid = lax.axis_index("c")
    sid = lax.axis_index("s")
    wid = cid * NS + sid
    pltpu.async_copy(ei_hbm.at[wid, 0], slab0, ssem0)
    pltpu.sync_copy(zeros_hbm, acc.at[pl.ds(sid * RPT, RPT)])
    plsc.subcore_barrier()

    def start_gather(slab, k2, buf, sem):
        pltpu.async_copy(g_hbm.at[slab.at[k2]], buf, sem)

    def wait_gather(slab, k2, buf, sem):
        pltpu.make_async_copy(g_hbm.at[slab.at[k2]], buf, sem).wait()

    def run_group(slab):
        def pair(t, c2):
            k0 = 2 * t
            start_gather(slab, 2 * k0 + 2, buf1, sem1)
            wait_gather(slab, 2 * k0, buf0, sem0)
            pltpu.sync_copy(buf0, acc.at[slab.at[2 * k0 + 1]], add=True)

            @pl.when(k0 + 2 < G)
            def _():
                start_gather(slab, 2 * k0 + 4, buf0, sem0)

            wait_gather(slab, 2 * k0 + 2, buf1, sem1)
            pltpu.sync_copy(buf1, acc.at[slab.at[2 * k0 + 3]], add=True)
            return c2

        lax.fori_loop(0, G // 2, pair, 0)

    def grouppair(gp, carry):
        gi0 = 2 * gp
        pltpu.make_async_copy(ei_hbm.at[wid, gi0], slab0, ssem0).wait()
        pltpu.async_copy(ei_hbm.at[wid, gi0 + 1], slab1, ssem1)
        start_gather(slab0, 0, buf0, sem0)
        run_group(slab0)
        pltpu.make_async_copy(ei_hbm.at[wid, gi0 + 1], slab1, ssem1).wait()

        @pl.when(gi0 + 2 < NG)
        def _():
            pltpu.async_copy(ei_hbm.at[wid, gi0 + 2], slab0, ssem0)

        start_gather(slab1, 0, buf0, sem0)
        run_group(slab1)
        return carry

    lax.fori_loop(0, NG // 2, grouppair, 0)
    plsc.subcore_barrier()
    pltpu.sync_copy(acc.at[pl.ds(sid * RPT, RPT)],
                    out_hbm.at[cid, pl.ds(sid * RPT, RPT)])



def _deg(hp):
    return 1.0 + hp[0, :, 0:1] + hp[1, :, 0:1]


def _prep_body(hist_ref, x_ref, g0_ref):
    dis = lax.rsqrt(_deg(hist_ref[...]))
    g0_ref[...] = dis * x_ref[...]


def _mid_body(hist_ref, b0_ref, g0_ref, g1_ref):
    deg = _deg(hist_ref[...])
    b0 = b0_ref[...]
    g1_ref[...] = (b0[0] + b0[1] + g0_ref[...]) / deg


def _fin_body(hist_ref, b1_ref, g1_ref, w_ref, b_ref, out_ref):
    dis = lax.rsqrt(_deg(hist_ref[...]))
    b1 = b1_ref[...]
    h2 = dis * (b1[0] + b1[1] + g1_ref[...])
    y = lax.dot_general(h2, w_ref[...], (((1,), (1,)), ((), ())),
                        preferred_element_type=jnp.float32) + b_ref[...]
    m = jnp.max(y, axis=1, keepdims=True)
    lse = m + jnp.log(jnp.sum(jnp.exp(y - m), axis=1, keepdims=True))
    out_ref[...] = y - lse


_hist_spec = pl.BlockSpec((NC, BN, FH), lambda i: (0, i, 0))
_row_spec = pl.BlockSpec((BN, F_IN), lambda i: (i, 0))
_part_spec = pl.BlockSpec((NC, BN, F_IN), lambda i: (0, i, 0))

_prep = pl.pallas_call(
    _prep_body,
    grid=(GRID,),
    in_specs=[_hist_spec, _row_spec],
    out_specs=_row_spec,
    out_shape=jax.ShapeDtypeStruct((N, F_IN), jnp.float32),
)

_mid = pl.pallas_call(
    _mid_body,
    grid=(GRID,),
    in_specs=[_hist_spec, _part_spec, _row_spec],
    out_specs=_row_spec,
    out_shape=jax.ShapeDtypeStruct((N, F_IN), jnp.float32),
)

_fin = pl.pallas_call(
    _fin_body,
    grid=(GRID,),
    in_specs=[
        _hist_spec,
        _part_spec,
        _row_spec,
        pl.BlockSpec((F_OUT, F_IN), lambda i: (0, 0)),
        pl.BlockSpec((1, F_OUT), lambda i: (0, 0)),
    ],
    out_specs=pl.BlockSpec((BN, F_OUT), lambda i: (i, 0)),
    out_shape=jax.ShapeDtypeStruct((N, F_OUT), jnp.float32),
)


def kernel(x, edge_index, W, b):
    col3 = edge_index[1].reshape(NW, NCHUNK, CHUNK)
    row4 = edge_index[0].reshape(NW, NG, G, CHUNK)
    col4 = edge_index[1].reshape(NW, NG, G, CHUNK)
    ei4 = jnp.stack([row4, col4], axis=3).reshape(NW, NG, 2 * G, CHUNK)
    zeros_f = jnp.zeros((RPT, F_IN), jnp.float32)
    zeros_h = jnp.zeros((RPT, FH), jnp.float32)
    ones_h = jnp.ones((CHUNK, FH), jnp.float32)

    hist = _hist(col3, ones_h, zeros_h)
    g0 = _prep(hist, x)
    b0 = _prop(g0, ei4, zeros_f)
    g1 = _mid(hist, b0, g0)
    b1 = _prop(g1, ei4, zeros_f)
    return _fin(hist, b1, g1, W, b.reshape(1, F_OUT))

# --- scband reference (transcript-rebuilt; emitter-appended) ---
"""Pipeline reference for scband-sgc-net-4320737100481 (READ-ONLY COPY).

The authoritative reference and input builder live on the scoring server;
editing this copy changes nothing except your own understanding.
"""

import jax, jax.numpy as jnp
import numpy as np

N = 10000
E = 320000
F_IN = 128
F_OUT = 64
K = 2


def setup_inputs(seed: int = 0) -> dict:
    key = jax.random.key(seed)
    k1, k2, k3 = jax.random.split(key, 3)
    x = jax.random.normal(k1, (N, F_IN), dtype=jnp.float32)
    edge_index = jax.random.randint(k2, (2, E), 0, N, dtype=jnp.int32)
    # SGConv linear layer parameters (glorot-ish init)
    W = jax.random.normal(k3, (F_OUT, F_IN), dtype=jnp.float32) * (1.0 / np.sqrt(F_IN))
    b = jnp.zeros((F_OUT,), dtype=jnp.float32)
    return {"x": x, "edge_index": edge_index, "W": W, "b": b}


def reference(x, edge_index, W, b):
    # SGConv: x' = S^K x W, with S = D^{-1/2} (A + I) D^{-1/2}
    row = edge_index[0]
    col = edge_index[1]
    # add self loops
    loop = jnp.arange(N, dtype=row.dtype)
    row = jnp.concatenate([row, loop])
    col = jnp.concatenate([col, loop])
    ew = jnp.ones((row.shape[0],), dtype=x.dtype)
    # gcn_norm: deg computed on target nodes (col)
    deg = jax.ops.segment_sum(ew, col, num_segments=N)
    deg_inv_sqrt = jnp.where(deg > 0, 1.0 / jnp.sqrt(deg), 0.0)
    norm = deg_inv_sqrt[row] * ew * deg_inv_sqrt[col]
    h = x
    for _ in range(K):
        msgs = norm[:, None] * h[row]           # gather source features
        h = jax.ops.segment_sum(msgs, col, num_segments=N)  # scatter-add at targets
    out = h @ W.T + b
    return jax.nn.log_softmax(out, axis=1)

if __name__ == "__main__":
    import jax
    _d = setup_inputs()
    print(jax.jit(kernel)(*tuple(_d.values())))

</pallas_src>

<mosaic_0001>
#map = affine_map<(d0, d1) -> (0, 0)>
#map1 = affine_map<(d0, d1) -> (0, 0, 0, 0)>
#map2 = affine_map<(d0, d1) -> (0, 0, 0)>
module attributes {stable_mosaic.version = 14 : i64} {
  func.func @_prop(%arg0: i32, %arg1: i32, %arg2: memref<10000x128xf32, #tpu.memory_space<hbm>>, %arg3: memref<32x4x40x125xi32, #tpu.memory_space<hbm>>, %arg4: memref<640x128xf32, #tpu.memory_space<hbm>>, %arg5: memref<2x10240x128xf32, #tpu.memory_space<hbm>>, %arg6: memref<40x125xi32, #tpu.memory_space<vmem>>, %arg7: memref<40x125xi32, #tpu.memory_space<vmem>>, %arg8: memref<125x128xf32, #tpu.memory_space<vmem>>, %arg9: memref<125x128xf32, #tpu.memory_space<vmem>>, %arg10: memref<10240x128xf32, #tpu.memory_space<vmem_shared>>, %arg11: memref<!tpu.dma_semaphore, #tpu.memory_space<semaphore_mem>>, %arg12: memref<!tpu.dma_semaphore, #tpu.memory_space<semaphore_mem>>, %arg13: memref<!tpu.dma_semaphore, #tpu.memory_space<semaphore_mem>>, %arg14: memref<!tpu.dma_semaphore, #tpu.memory_space<semaphore_mem>>) attributes {dimension_semantics = [#tpu.dimension_semantics<core_parallel>, #tpu.dimension_semantics<subcore_parallel>], iteration_bounds = array<i64: 2, 16>, scalar_prefetch = 0 : i64, scratch_operands = 9 : i64, tpu.core_type = #tpu.core_type<sc_vector_subcore>, window_params = [{transform_indices = #map}, {transform_indices = #map1}, {transform_indices = #map}, {transform_indices = #map2}]} {
    %mul3A = arith.constant 16 : i32
    %mul3A_0 = arith.muli %arg0, %mul3A : i32
    %add3A = arith.addi %mul3A_0, %arg1 : i32
    %dma_start3A = arith.constant 0 : i32
    %dma_start3A_1 = arith.constant 0 : i32
    %dma_start3A_2 = arith.constant 0 : i32
    %dma_start3A_3 = tpu.memref_slice %arg3[%add3A, %dma_start3A, %dma_start3A_1, %dma_start3A_2] : memref<32x4x40x125xi32, #tpu.memory_space<hbm>> -> memref<1x1x40x125xi32, #tpu.memory_space<hbm>>
    %dma_start3A_4 = tpu.memref_squeeze %dma_start3A_3 : memref<1x1x40x125xi32, #tpu.memory_space<hbm>> -> memref<40x125xi32, #tpu.memory_space<hbm>>
    %dma_start3A_5 = arith.constant 0 : i32
    %dma_start3A_6 = arith.constant 0 : i32
    %dma_start3A_7 = tpu.memref_slice %arg3[%add3A, %dma_start3A, %dma_start3A_5, %dma_start3A_6] : memref<32x4x40x125xi32, #tpu.memory_space<hbm>> -> memref<1x1x40x125xi32, #tpu.memory_space<hbm>>
    %dma_start3A_8 = tpu.memref_squeeze %dma_start3A_7 : memref<1x1x40x125xi32, #tpu.memory_space<hbm>> -> memref<40x125xi32, #tpu.memory_space<hbm>>
    tpu.enqueue_dma source(%dma_start3A_8 : memref<40x125xi32, #tpu.memory_space<hbm>>) target(%arg6 : memref<40x125xi32, #tpu.memory_space<vmem>>) target_semaphore(%arg13 : memref<!tpu.dma_semaphore, #tpu.memory_space<semaphore_mem>>)
    %mul3A_9 = arith.constant 640 : i32
    %mul3A_10 = arith.muli %arg1, %mul3A_9 : i32
    "tpu.region"() ({
      %run_scoped3A = tpu.sem_alloc : memref<!tpu.dma_semaphore, #tpu.memory_space<semaphore_mem>>
      %dma_start3A_21 = arith.constant 0 : i32
      %dma_start3A_22 = tpu.memref_slice %arg10[%mul3A_10, %dma_start3A_21] : memref<10240x128xf32, #tpu.memory_space<vmem_shared>> -> memref<640x128xf32, #tpu.memory_space<vmem_shared>>
      tpu.enqueue_dma source(%arg4 : memref<640x128xf32, #tpu.memory_space<hbm>>) target(%dma_start3A_22 : memref<640x128xf32, #tpu.memory_space<vmem_shared>>) target_semaphore(%run_scoped3A : memref<!tpu.dma_semaphore, #tpu.memory_space<semaphore_mem>>)
      %dma_wait3A = arith.constant 0 : i32
      %dma_wait3A_23 = tpu.memref_slice %arg10[%mul3A_10, %dma_wait3A] : memref<10240x128xf32, #tpu.memory_space<vmem_shared>> -> memref<640x128xf32, #tpu.memory_space<vmem_shared>>
      tpu.wait_dma2 semaphore(%run_scoped3A : memref<!tpu.dma_semaphore, #tpu.memory_space<semaphore_mem>>) src(%arg4 : memref<640x128xf32, #tpu.memory_space<hbm>>) dst(%dma_wait3A_23 : memref<640x128xf32, #tpu.memory_space<vmem_shared>>)
      tpu.yield
    }) : () -> ()
    %barrier3A = arith.constant 0 : index
    tpu.barrier barrier_id(%barrier3A)
    %scan3A = arith.constant 0 : i32
    %scan3A_11 = arith.constant 0 : i32
    %scan3A_12 = arith.constant 2 : i32
    %scan3A_13 = arith.addi %scan3A_11, %scan3A_12 : i32
    %scan3A_14 = arith.constant 1 : i32
    scf.for %scan3A_21 = %scan3A_11 to %scan3A_13 step %scan3A_14  : i32 {
      %mul3A_22 = arith.constant 2 : i32
      %mul3A_23 = arith.muli %mul3A_22, %scan3A_21 : i32
      %dma_wait3A = arith.constant 0 : i32
      %dma_wait3A_24 = arith.constant 0 : i32
      %dma_wait3A_25 = tpu.memref_slice %arg3[%add3A, %mul3A_23, %dma_wait3A, %dma_wait3A_24] : memref<32x4x40x125xi32, #tpu.memory_space<hbm>> -> memref<1x1x40x125xi32, #tpu.memory_space<hbm>>
      %dma_wait3A_26 = tpu.memref_squeeze %dma_wait3A_25 : memref<1x1x40x125xi32, #tpu.memory_space<hbm>> -> memref<40x125xi32, #tpu.memory_space<hbm>>
      %dma_wait3A_27 = arith.constant 0 : i32
      %dma_wait3A_28 = arith.constant 0 : i32
      %dma_wait3A_29 = tpu.memref_slice %arg3[%add3A, %mul3A_23, %dma_wait3A_27, %dma_wait3A_28] : memref<32x4x40x125xi32, #tpu.memory_space<hbm>> -> memref<1x1x40x125xi32, #tpu.memory_space<hbm>>
      %dma_wait3A_30 = tpu.memref_squeeze %dma_wait3A_29 : memref<1x1x40x125xi32, #tpu.memory_space<hbm>> -> memref<40x125xi32, #tpu.memory_space<hbm>>
      tpu.wait_dma2 semaphore(%arg13 : memref<!tpu.dma_semaphore, #tpu.memory_space<semaphore_mem>>) src(%dma_wait3A_30 : memref<40x125xi32, #tpu.memory_space<hbm>>) dst(%arg6 : memref<40x125xi32, #tpu.memory_space<vmem>>)
      %add3A_31 = arith.constant 1 : i32
      %add3A_32 = arith.addi %mul3A_23, %add3A_31 : i32
      %dma_start3A_33 = arith.constant 0 : i32
      %dma_start3A_34 = arith.constant 0 : i32
      %dma_start3A_35 = tpu.memref_slice %arg3[%add3A, %add3A_32, %dma_start3A_33, %dma_start3A_34] : memref<32x4x40x125xi32, #tpu.memory_space<hbm>> -> memref<1x1x40x125xi32, #tpu.memory_space<hbm>>
      %dma_start3A_36 = tpu.memref_squeeze %dma_start3A_35 : memref<1x1x40x125xi32, #tpu.memory_space<hbm>> -> memref<40x125xi32, #tpu.memory_space<hbm>>
      %dma_start3A_37 = arith.constant 0 : i32
      %dma_start3A_38 = arith.constant 0 : i32
      %dma_start3A_39 = tpu.memref_slice %arg3[%add3A, %add3A_32, %dma_start3A_37, %dma_start3A_38] : memref<32x4x40x125xi32, #tpu.memory_space<hbm>> -> memref<1x1x40x125xi32, #tpu.memory_space<hbm>>
      %dma_start3A_40 = tpu.memref_squeeze %dma_start3A_39 : memref<1x1x40x125xi32, #tpu.memory_space<hbm>> -> memref<40x125xi32, #tpu.memory_space<hbm>>
      tpu.enqueue_dma source(%dma_start3A_40 : memref<40x125xi32, #tpu.memory_space<hbm>>) target(%arg7 : memref<40x125xi32, #tpu.memory_space<vmem>>) target_semaphore(%arg14 : memref<!tpu.dma_semaphore, #tpu.memory_space<semaphore_mem>>)
      %dma_start3A_41 = arith.constant 0 : i32
      %dma_start3A_42 = arith.constant 0 : i32
      %dma_start3A_43 = tpu.memref_slice %arg6[%dma_start3A_41, %dma_start3A_42] : memref<40x125xi32, #tpu.memory_space<vmem>> -> memref<1x125xi32, #tpu.memory_space<vmem>>
      %dma_start3A_44 = tpu.memref_squeeze %dma_start3A_43 : memref<1x125xi32, #tpu.memory_space<vmem>> -> memref<125xi32, #tpu.memory_space<vmem>>
      %dma_start3A_45 = arith.constant 0 : i32
      %dma_start3A_46 = arith.constant 0 : i32
      %dma_start3A_47 = tpu.memref_slice %arg2[%dma_start3A_45, %dma_start3A_46] : memref<10000x128xf32, #tpu.memory_space<hbm>> -> memref<10000x128xf32, #tpu.memory_space<hbm>>
      tpu.enqueue_indirect_dma source(%dma_start3A_47 : memref<10000x128xf32, #tpu.memory_space<hbm>>) target(%arg8 : memref<125x128xf32, #tpu.memory_space<vmem>>) offsets(%dma_start3A_44 : memref<125xi32, #tpu.memory_space<vmem>>) semaphore(%arg11 : memref<!tpu.dma_semaphore, #tpu.memory_space<semaphore_mem>>)
      %scan3A_48 = arith.constant 0 : i32
      %scan3A_49 = arith.constant 0 : i32
      %scan3A_50 = arith.constant 10 : i32
      %scan3A_51 = arith.addi %scan3A_49, %scan3A_50 : i32
      %scan3A_52 = arith.constant 1 : i32
      scf.for %scan3A_81 = %scan3A_49 to %scan3A_51 step %scan3A_52  : i32 {
        %mul3A_82 = arith.constant 2 : i32
        %mul3A_83 = arith.muli %mul3A_82, %scan3A_81 : i32
        %mul3A_84 = arith.constant 2 : i32
        %mul3A_85 = arith.muli %mul3A_84, %mul3A_83 : i32
        %add3A_86 = arith.constant 2 : i32
        %add3A_87 = arith.addi %mul3A_85, %add3A_86 : i32
        %dma_start3A_88 = arith.constant 0 : i32
        %dma_start3A_89 = tpu.memref_slice %arg6[%add3A_87, %dma_start3A_88] : memref<40x125xi32, #tpu.memory_space<vmem>> -> memref<1x125xi32, #tpu.memory_space<vmem>>
        %dma_start3A_90 = tpu.memref_squeeze %dma_start3A_89 : memref<1x125xi32, #tpu.memory_space<vmem>> -> memref<125xi32, #tpu.memory_space<vmem>>
        %dma_start3A_91 = arith.constant 0 : i32
        %dma_start3A_92 = arith.constant 0 : i32
        %dma_start3A_93 = tpu.memref_slice %arg2[%dma_start3A_91, %dma_start3A_92] : memref<10000x128xf32, #tpu.memory_space<hbm>> -> memref<10000x128xf32, #tpu.memory_space<hbm>>
        tpu.enqueue_indirect_dma source(%dma_start3A_93 : memref<10000x128xf32, #tpu.memory_space<hbm>>) target(%arg9 : memref<125x128xf32, #tpu.memory_space<vmem>>) offsets(%dma_start3A_90 : memref<125xi32, #tpu.memory_space<vmem>>) semaphore(%arg12 : memref<!tpu.dma_semaphore, #tpu.memory_space<semaphore_mem>>)
        %mul3A_94 = arith.constant 2 : i32
        %mul3A_95 = arith.muli %mul3A_94, %mul3A_83 : i32
        %dma_wait3A_96 = arith.constant 0 : i32
        %dma_wait3A_97 = tpu.memref_slice %arg6[%mul3A_95, %dma_wait3A_96] : memref<40x125xi32, #tpu.memory_space<vmem>> -> memref<1x125xi32, #tpu.memory_space<vmem>>
        %dma_wait3A_98 = tpu.memref_squeeze %dma_wait3A_97 : memref<1x125xi32, #tpu.memory_space<vmem>> -> memref<125xi32, #tpu.memory_space<vmem>>
        %dma_wait3A_99 = arith.constant 0 : i32
        %dma_wait3A_100 = arith.constant 0 : i32
        %dma_wait3A_101 = tpu.memref_slice %arg2[%dma_wait3A_99, %dma_wait3A_100] : memref<10000x128xf32, #tpu.memory_space<hbm>> -> memref<10000x128xf32, #tpu.memory_space<hbm>>
        tpu.wait_indirect_dma semaphore(%arg11 : memref<!tpu.dma_semaphore, #tpu.memory_space<semaphore_mem>>) src(%dma_wait3A_101 : memref<10000x128xf32, #tpu.memory_space<hbm>>) dst(%arg8 : memref<125x128xf32, #tpu.memory_space<vmem>>)
        %mul3A_102 = arith.constant 2 : i32
        %mul3A_103 = arith.muli %mul3A_102, %mul3A_83 : i32
        %add3A_104 = arith.constant 1 : i32
        %add3A_105 = arith.addi %mul3A_103, %add3A_104 : i32
        "tpu.region"() ({
          %run_scoped3A = tpu.sem_alloc : memref<!tpu.dma_semaphore, #tpu.memory_space<semaphore_mem>>
          %dma_start3A_127 = arith.constant 0 : i32
          %dma_start3A_128 = tpu.memref_slice %arg6[%add3A_105, %dma_start3A_127] : memref<40x125xi32, #tpu.memory_space<vmem>> -> memref<1x125xi32, #tpu.memory_space<vmem>>
          %dma_start3A_129 = tpu.memref_squeeze %dma_start3A_128 : memref<1x125xi32, #tpu.memory_space<vmem>> -> memref<125xi32, #tpu.memory_space<vmem>>
          %dma_start3A_130 = arith.constant 0 : i32
          %dma_start3A_131 = arith.constant 0 : i32
          %dma_start3A_132 = tpu.memref_slice %arg10[%dma_start3A_130, %dma_start3A_131] : memref<10240x128xf32, #tpu.memory_space<vmem_shared>> -> memref<10240x128xf32, #tpu.memory_space<vmem_shared>>
          tpu.enqueue_indirect_dma source(%arg8 : memref<125x128xf32, #tpu.memory_space<vmem>>) target(%dma_start3A_132 : memref<10240x128xf32, #tpu.memory_space<vmem_shared>>) offsets(%dma_start3A_129 : memref<125xi32, #tpu.memory_space<vmem>>) semaphore(%run_scoped3A : memref<!tpu.dma_semaphore, #tpu.memory_space<semaphore_mem>>) {add = true}
          %dma_wait3A_133 = arith.constant 0 : i32
          %dma_wait3A_134 = tpu.memref_slice %arg6[%add3A_105, %dma_wait3A_133] : memref<40x125xi32, #tpu.memory_space<vmem>> -> memref<1x125xi32, #tpu.memory_space<vmem>>
          %dma_wait3A_135 = tpu.memref_squeeze %dma_wait3A_134 : memref<1x125xi32, #tpu.memory_space<vmem>> -> memref<125xi32, #tpu.memory_space<vmem>>
          %dma_wait3A_136 = arith.constant 0 : i32
          %dma_wait3A_137 = arith.constant 0 : i32
          %dma_wait3A_138 = tpu.memref_slice %arg10[%dma_wait3A_136, %dma_wait3A_137] : memref<10240x128xf32, #tpu.memory_space<vmem_shared>> -> memref<10240x128xf32, #tpu.memory_space<vmem_shared>>
          tpu.wait_indirect_dma semaphore(%run_scoped3A : memref<!tpu.dma_semaphore, #tpu.memory_space<semaphore_mem>>) src(%arg8 : memref<125x128xf32, #tpu.memory_space<vmem>>) dst(%dma_wait3A_138 : memref<10240x128xf32, #tpu.memory_space<vmem_shared>>)
          tpu.yield
        }) : () -> ()
        %add3A_106 = arith.constant 2 : i32
        %add3A_107 = arith.addi %mul3A_83, %add3A_106 : i32
        %lt3A_108 = arith.constant 20 : i32
        %lt3A_109 = arith.cmpi slt, %add3A_107, %lt3A_108 : i32
        %convert_element_type3A_110 = arith.extui %lt3A_109 : i1 to i32
        %cond3A_111 = arith.constant 0 : i32
        %cond3A_112 = arith.cmpi ne, %convert_element_type3A_110, %cond3A_111 : i32
        scf.if %cond3A_112 {
          %mul3A_127 = arith.constant 2 : i32
          %mul3A_128 = arith.muli %mul3A_127, %mul3A_83 : i32
          %add3A_129 = arith.constant 4 : i32
          %add3A_130 = arith.addi %mul3A_128, %add3A_129 : i32
          %dma_start3A_131 = arith.constant 0 : i32
          %dma_start3A_132 = tpu.memref_slice %arg6[%add3A_130, %dma_start3A_131] : memref<40x125xi32, #tpu.memory_space<vmem>> -> memref<1x125xi32, #tpu.memory_space<vmem>>
          %dma_start3A_133 = tpu.memref_squeeze %dma_start3A_132 : memref<1x125xi32, #tpu.memory_space<vmem>> -> memref<125xi32, #tpu.memory_space<vmem>>
          %dma_start3A_134 = arith.constant 0 : i32
          %dma_start3A_135 = arith.constant 0 : i32
          %dma_start3A_136 = tpu.memref_slice %arg2[%dma_start3A_134, %dma_start3A_135] : memref<10000x128xf32, #tpu.memory_space<hbm>> -> memref<10000x128xf32, #tpu.memory_space<hbm>>
          tpu.enqueue_indirect_dma source(%dma_start3A_136 : memref<10000x128xf32, #tpu.memory_space<hbm>>) target(%arg8 : memref<125x128xf32, #tpu.memory_space<vmem>>) offsets(%dma_start3A_133 : memref<125xi32, #tpu.memory_space<vmem>>) semaphore(%arg11 : memref<!tpu.dma_semaphore, #tpu.memory_space<semaphore_mem>>)
        } else {
        }
        %mul3A_113 = arith.constant 2 : i32
        %mul3A_114 = arith.muli %mul3A_113, %mul3A_83 : i32
        %add3A_115 = arith.constant 2 : i32
        %add3A_116 = arith.addi %mul3A_114, %add3A_115 : i32
        %dma_wait3A_117 = arith.constant 0 : i32
        %dma_wait3A_118 = tpu.memref_slice %arg6[%add3A_116, %dma_wait3A_117] : memref<40x125xi32, #tpu.memory_space<vmem>> -> memref<1x125xi32, #tpu.memory_space<vmem>>
        %dma_wait3A_119 = tpu.memref_squeeze %dma_wait3A_118 : memref<1x125xi32, #tpu.memory_space<vmem>> -> memref<125xi32, #tpu.memory_space<vmem>>
        %dma_wait3A_120 = arith.constant 0 : i32
        %dma_wait3A_121 = arith.constant 0 : i32
        %dma_wait3A_122 = tpu.memref_slice %arg2[%dma_wait3A_120, %dma_wait3A_121] : memref<10000x128xf32, #tpu.memory_space<hbm>> -> memref<10000x128xf32, #tpu.memory_space<hbm>>
        tpu.wait_indirect_dma semaphore(%arg12 : memref<!tpu.dma_semaphore, #tpu.memory_space<semaphore_mem>>) src(%dma_wait3A_122 : memref<10000x128xf32, #tpu.memory_space<hbm>>) dst(%arg9 : memref<125x128xf32, #tpu.memory_space<vmem>>)
        %mul3A_123 = arith.constant 2 : i32
        %mul3A_124 = arith.muli %mul3A_123, %mul3A_83 : i32
        %add3A_125 = arith.constant 3 : i32
        %add3A_126 = arith.addi %mul3A_124, %add3A_125 : i32
        "tpu.region"() ({
          %run_scoped3A = tpu.sem_alloc : memref<!tpu.dma_semaphore, #tpu.memory_space<semaphore_mem>>
          %dma_start3A_127 = arith.constant 0 : i32
          %dma_start3A_128 = tpu.memref_slice %arg6[%add3A_126, %dma_start3A_127] : memref<40x125xi32, #tpu.memory_space<vmem>> -> memref<1x125xi32, #tpu.memory_space<vmem>>
          %dma_start3A_129 = tpu.memref_squeeze %dma_start3A_128 : memref<1x125xi32, #tpu.memory_space<vmem>> -> memref<125xi32, #tpu.memory_space<vmem>>
          %dma_start3A_130 = arith.constant 0 : i32
          %dma_start3A_131 = arith.constant 0 : i32
          %dma_start3A_132 = tpu.memref_slice %arg10[%dma_start3A_130, %dma_start3A_131] : memref<10240x128xf32, #tpu.memory_space<vmem_shared>> -> memref<10240x128xf32, #tpu.memory_space<vmem_shared>>
          tpu.enqueue_indirect_dma source(%arg9 : memref<125x128xf32, #tpu.memory_space<vmem>>) target(%dma_start3A_132 : memref<10240x128xf32, #tpu.memory_space<vmem_shared>>) offsets(%dma_start3A_129 : memref<125xi32, #tpu.memory_space<vmem>>) semaphore(%run_scoped3A : memref<!tpu.dma_semaphore, #tpu.memory_space<semaphore_mem>>) {add = true}
          %dma_wait3A_133 = arith.constant 0 : i32
          %dma_wait3A_134 = tpu.memref_slice %arg6[%add3A_126, %dma_wait3A_133] : memref<40x125xi32, #tpu.memory_space<vmem>> -> memref<1x125xi32, #tpu.memory_space<vmem>>
          %dma_wait3A_135 = tpu.memref_squeeze %dma_wait3A_134 : memref<1x125xi32, #tpu.memory_space<vmem>> -> memref<125xi32, #tpu.memory_space<vmem>>
          %dma_wait3A_136 = arith.constant 0 : i32
          %dma_wait3A_137 = arith.constant 0 : i32
          %dma_wait3A_138 = tpu.memref_slice %arg10[%dma_wait3A_136, %dma_wait3A_137] : memref<10240x128xf32, #tpu.memory_space<vmem_shared>> -> memref<10240x128xf32, #tpu.memory_space<vmem_shared>>
          tpu.wait_indirect_dma semaphore(%run_scoped3A : memref<!tpu.dma_semaphore, #tpu.memory_space<semaphore_mem>>) src(%arg9 : memref<125x128xf32, #tpu.memory_space<vmem>>) dst(%dma_wait3A_138 : memref<10240x128xf32, #tpu.memory_space<vmem_shared>>)
          tpu.yield
        }) : () -> ()
      }
      %scan3A_53 = arith.constant 10 : i32
      %add3A_54 = arith.constant 1 : i32
      %add3A_55 = arith.addi %mul3A_23, %add3A_54 : i32
      %dma_wait3A_56 = arith.constant 0 : i32
      %dma_wait3A_57 = arith.constant 0 : i32
      %dma_wait3A_58 = tpu.memref_slice %arg3[%add3A, %add3A_55, %dma_wait3A_56, %dma_wait3A_57] : memref<32x4x40x125xi32, #tpu.memory_space<hbm>> -> memref<1x1x40x125xi32, #tpu.memory_space<hbm>>
      %dma_wait3A_59 = tpu.memref_squeeze %dma_wait3A_58 : memref<1x1x40x125xi32, #tpu.memory_space<hbm>> -> memref<40x125xi32, #tpu.memory_space<hbm>>
      %dma_wait3A_60 = arith.constant 0 : i32
      %dma_wait3A_61 = arith.constant 0 : i32
      %dma_wait3A_62 = tpu.memref_slice %arg3[%add3A, %add3A_55, %dma_wait3A_60, %dma_wait3A_61] : memref<32x4x40x125xi32, #tpu.memory_space<hbm>> -> memref<1x1x40x125xi32, #tpu.memory_space<hbm>>
      %dma_wait3A_63 = tpu.memref_squeeze %dma_wait3A_62 : memref<1x1x40x125xi32, #tpu.memory_space<hbm>> -> memref<40x125xi32, #tpu.memory_space<hbm>>
      tpu.wait_dma2 semaphore(%arg14 : memref<!tpu.dma_semaphore, #tpu.memory_space<semaphore_mem>>) src(%dma_wait3A_63 : memref<40x125xi32, #tpu.memory_space<hbm>>) dst(%arg7 : memref<40x125xi32, #tpu.memory_space<vmem>>)
      %add3A_64 = arith.constant 2 : i32
      %add3A_65 = arith.addi %mul3A_23, %add3A_64 : i32
      %lt3A = arith.constant 4 : i32
      %lt3A_66 = arith.cmpi slt, %add3A_65, %lt3A : i32
      %convert_element_type3A = arith.extui %lt3A_66 : i1 to i32
      %cond3A = arith.constant 0 : i32
      %cond3A_67 = arith.cmpi ne, %convert_element_type3A, %cond3A : i32
      scf.if %cond3A_67 {
        %add3A_81 = arith.constant 2 : i32
        %add3A_82 = arith.addi %mul3A_23, %add3A_81 : i32
        %dma_start3A_83 = arith.constant 0 : i32
        %dma_start3A_84 = arith.constant 0 : i32
        %dma_start3A_85 = tpu.memref_slice %arg3[%add3A, %add3A_82, %dma_start3A_83, %dma_start3A_84] : memref<32x4x40x125xi32, #tpu.memory_space<hbm>> -> memref<1x1x40x125xi32, #tpu.memory_space<hbm>>
        %dma_start3A_86 = tpu.memref_squeeze %dma_start3A_85 : memref<1x1x40x125xi32, #tpu.memory_space<hbm>> -> memref<40x125xi32, #tpu.memory_space<hbm>>
        %dma_start3A_87 = arith.constant 0 : i32
        %dma_start3A_88 = arith.constant 0 : i32
        %dma_start3A_89 = tpu.memref_slice %arg3[%add3A, %add3A_82, %dma_start3A_87, %dma_start3A_88] : memref<32x4x40x125xi32, #tpu.memory_space<hbm>> -> memref<1x1x40x125xi32, #tpu.memory_space<hbm>>
        %dma_start3A_90 = tpu.memref_squeeze %dma_start3A_89 : memref<1x1x40x125xi32, #tpu.memory_space<hbm>> -> memref<40x125xi32, #tpu.memory_space<hbm>>
        tpu.enqueue_dma source(%dma_start3A_90 : memref<40x125xi32, #tpu.memory_space<hbm>>) target(%arg6 : memref<40x125xi32, #tpu.memory_space<vmem>>) target_semaphore(%arg13 : memref<!tpu.dma_semaphore, #tpu.memory_space<semaphore_mem>>)
      } else {
      }
      %dma_start3A_68 = arith.constant 0 : i32
      %dma_start3A_69 = arith.constant 0 : i32
      %dma_start3A_70 = tpu.memref_slice %arg7[%dma_start3A_68, %dma_start3A_69] : memref<40x125xi32, #tpu.memory_space<vmem>> -> memref<1x125xi32, #tpu.memory_space<vmem>>
      %dma_start3A_71 = tpu.memref_squeeze %dma_start3A_70 : memref<1x125xi32, #tpu.memory_space<vmem>> -> memref<125xi32, #tpu.memory_space<vmem>>
      %dma_start3A_72 = arith.constant 0 : i32
      %dma_start3A_73 = arith.constant 0 : i32
      %dma_start3A_74 = tpu.memref_slice %arg2[%dma_start3A_72, %dma_start3A_73] : memref<10000x128xf32, #tpu.memory_space<hbm>> -> memref<10000x128xf32, #tpu.memory_space<hbm>>
      tpu.enqueue_indirect_dma source(%dma_start3A_74 : memref<10000x128xf32, #tpu.memory_space<hbm>>) target(%arg8 : memref<125x128xf32, #tpu.memory_space<vmem>>) offsets(%dma_start3A_71 : memref<125xi32, #tpu.memory_space<vmem>>) semaphore(%arg11 : memref<!tpu.dma_semaphore, #tpu.memory_space<semaphore_mem>>)
      %scan3A_75 = arith.constant 0 : i32
      %scan3A_76 = arith.constant 0 : i32
      %scan3A_77 = arith.constant 10 : i32
      %scan3A_78 = arith.addi %scan3A_76, %scan3A_77 : i32
      %scan3A_79 = arith.constant 1 : i32
      scf.for %scan3A_81 = %scan3A_76 to %scan3A_78 step %scan3A_79  : i32 {
        %mul3A_82 = arith.constant 2 : i32
        %mul3A_83 = arith.muli %mul3A_82, %scan3A_81 : i32
        %mul3A_84 = arith.constant 2 : i32
        %mul3A_85 = arith.muli %mul3A_84, %mul3A_83 : i32
        %add3A_86 = arith.constant 2 : i32
        %add3A_87 = arith.addi %mul3A_85, %add3A_86 : i32
        %dma_start3A_88 = arith.constant 0 : i32
        %dma_start3A_89 = tpu.memref_slice %arg7[%add3A_87, %dma_start3A_88] : memref<40x125xi32, #tpu.memory_space<vmem>> -> memref<1x125xi32, #tpu.memory_space<vmem>>
        %dma_start3A_90 = tpu.memref_squeeze %dma_start3A_89 : memref<1x125xi32, #tpu.memory_space<vmem>> -> memref<125xi32, #tpu.memory_space<vmem>>
        %dma_start3A_91 = arith.constant 0 : i32
        %dma_start3A_92 = arith.constant 0 : i32
        %dma_start3A_93 = tpu.memref_slice %arg2[%dma_start3A_91, %dma_start3A_92] : memref<10000x128xf32, #tpu.memory_space<hbm>> -> memref<10000x128xf32, #tpu.memory_space<hbm>>
        tpu.enqueue_indirect_dma source(%dma_start3A_93 : memref<10000x128xf32, #tpu.memory_space<hbm>>) target(%arg9 : memref<125x128xf32, #tpu.memory_space<vmem>>) offsets(%dma_start3A_90 : memref<125xi32, #tpu.memory_space<vmem>>) semaphore(%arg12 : memref<!tpu.dma_semaphore, #tpu.memory_space<semaphore_mem>>)
        %mul3A_94 = arith.constant 2 : i32
        %mul3A_95 = arith.muli %mul3A_94, %mul3A_83 : i32
        %dma_wait3A_96 = arith.constant 0 : i32
        %dma_wait3A_97 = tpu.memref_slice %arg7[%mul3A_95, %dma_wait3A_96] : memref<40x125xi32, #tpu.memory_space<vmem>> -> memref<1x125xi32, #tpu.memory_space<vmem>>
        %dma_wait3A_98 = tpu.memref_squeeze %dma_wait3A_97 : memref<1x125xi32, #tpu.memory_space<vmem>> -> memref<125xi32, #tpu.memory_space<vmem>>
        %dma_wait3A_99 = arith.constant 0 : i32
        %dma_wait3A_100 = arith.constant 0 : i32
        %dma_wait3A_101 = tpu.memref_slice %arg2[%dma_wait3A_99, %dma_wait3A_100] : memref<10000x128xf32, #tpu.memory_space<hbm>> -> memref<10000x128xf32, #tpu.memory_space<hbm>>
        tpu.wait_indirect_dma semaphore(%arg11 : memref<!tpu.dma_semaphore, #tpu.memory_space<semaphore_mem>>) src(%dma_wait3A_101 : memref<10000x128xf32, #tpu.memory_space<hbm>>) dst(%arg8 : memref<125x128xf32, #tpu.memory_space<vmem>>)
        %mul3A_102 = arith.constant 2 : i32
        %mul3A_103 = arith.muli %mul3A_102, %mul3A_83 : i32
        %add3A_104 = arith.constant 1 : i32
        %add3A_105 = arith.addi %mul3A_103, %add3A_104 : i32
        "tpu.region"() ({
          %run_scoped3A = tpu.sem_alloc : memref<!tpu.dma_semaphore, #tpu.memory_space<semaphore_mem>>
          %dma_start3A_127 = arith.constant 0 : i32
          %dma_start3A_128 = tpu.memref_slice %arg7[%add3A_105, %dma_start3A_127] : memref<40x125xi32, #tpu.memory_space<vmem>> -> memref<1x125xi32, #tpu.memory_space<vmem>>
          %dma_start3A_129 = tpu.memref_squeeze %dma_start3A_128 : memref<1x125xi32, #tpu.memory_space<vmem>> -> memref<125xi32, #tpu.memory_space<vmem>>
          %dma_start3A_130 = arith.constant 0 : i32
          %dma_start3A_131 = arith.constant 0 : i32
          %dma_start3A_132 = tpu.memref_slice %arg10[%dma_start3A_130, %dma_start3A_131] : memref<10240x128xf32, #tpu.memory_space<vmem_shared>> -> memref<10240x128xf32, #tpu.memory_space<vmem_shared>>
          tpu.enqueue_indirect_dma source(%arg8 : memref<125x128xf32, #tpu.memory_space<vmem>>) target(%dma_start3A_132 : memref<10240x128xf32, #tpu.memory_space<vmem_shared>>) offsets(%dma_start3A_129 : memref<125xi32, #tpu.memory_space<vmem>>) semaphore(%run_scoped3A : memref<!tpu.dma_semaphore, #tpu.memory_space<semaphore_mem>>) {add = true}
          %dma_wait3A_133 = arith.constant 0 : i32
          %dma_wait3A_134 = tpu.memref_slice %arg7[%add3A_105, %dma_wait3A_133] : memref<40x125xi32, #tpu.memory_space<vmem>> -> memref<1x125xi32, #tpu.memory_space<vmem>>
          %dma_wait3A_135 = tpu.memref_squeeze %dma_wait3A_134 : memref<1x125xi32, #tpu.memory_space<vmem>> -> memref<125xi32, #tpu.memory_space<vmem>>
          %dma_wait3A_136 = arith.constant 0 : i32
          %dma_wait3A_137 = arith.constant 0 : i32
          %dma_wait3A_138 = tpu.memref_slice %arg10[%dma_wait3A_136, %dma_wait3A_137] : memref<10240x128xf32, #tpu.memory_space<vmem_shared>> -> memref<10240x128xf32, #tpu.memory_space<vmem_shared>>
          tpu.wait_indirect_dma semaphore(%run_scoped3A : memref<!tpu.dma_semaphore, #tpu.memory_space<semaphore_mem>>) src(%arg8 : memref<125x128xf32, #tpu.memory_space<vmem>>) dst(%dma_wait3A_138 : memref<10240x128xf32, #tpu.memory_space<vmem_shared>>)
          tpu.yield
        }) : () -> ()
        %add3A_106 = arith.constant 2 : i32
        %add3A_107 = arith.addi %mul3A_83, %add3A_106 : i32
        %lt3A_108 = arith.constant 20 : i32
        %lt3A_109 = arith.cmpi slt, %add3A_107, %lt3A_108 : i32
        %convert_element_type3A_110 = arith.extui %lt3A_109 : i1 to i32
        %cond3A_111 = arith.constant 0 : i32
        %cond3A_112 = arith.cmpi ne, %convert_element_type3A_110, %cond3A_111 : i32
        scf.if %cond3A_112 {
          %mul3A_127 = arith.constant 2 : i32
          %mul3A_128 = arith.muli %mul3A_127, %mul3A_83 : i32
          %add3A_129 = arith.constant 4 : i32
          %add3A_130 = arith.addi %mul3A_128, %add3A_129 : i32
          %dma_start3A_131 = arith.constant 0 : i32
          %dma_start3A_132 = tpu.memref_slice %arg7[%add3A_130, %dma_start3A_131] : memref<40x125xi32, #tpu.memory_space<vmem>> -> memref<1x125xi32, #tpu.memory_space<vmem>>
          %dma_start3A_133 = tpu.memref_squeeze %dma_start3A_132 : memref<1x125xi32, #tpu.memory_space<vmem>> -> memref<125xi32, #tpu.memory_space<vmem>>
          %dma_start3A_134 = arith.constant 0 : i32
          %dma_start3A_135 = arith.constant 0 : i32
          %dma_start3A_136 = tpu.memref_slice %arg2[%dma_start3A_134, %dma_start3A_135] : memref<10000x128xf32, #tpu.memory_space<hbm>> -> memref<10000x128xf32, #tpu.memory_space<hbm>>
          tpu.enqueue_indirect_dma source(%dma_start3A_136 : memref<10000x128xf32, #tpu.memory_space<hbm>>) target(%arg8 : memref<125x128xf32, #tpu.memory_space<vmem>>) offsets(%dma_start3A_133 : memref<125xi32, #tpu.memory_space<vmem>>) semaphore(%arg11 : memref<!tpu.dma_semaphore, #tpu.memory_space<semaphore_mem>>)
        } else {
        }
        %mul3A_113 = arith.constant 2 : i32
        %mul3A_114 = arith.muli %mul3A_113, %mul3A_83 : i32
        %add3A_115 = arith.constant 2 : i32
        %add3A_116 = arith.addi %mul3A_114, %add3A_115 : i32
        %dma_wait3A_117 = arith.constant 0 : i32
        %dma_wait3A_118 = tpu.memref_slice %arg7[%add3A_116, %dma_wait3A_117] : memref<40x125xi32, #tpu.memory_space<vmem>> -> memref<1x125xi32, #tpu.memory_space<vmem>>
        %dma_wait3A_119 = tpu.memref_squeeze %dma_wait3A_118 : memref<1x125xi32, #tpu.memory_space<vmem>> -> memref<125xi32, #tpu.memory_space<vmem>>
        %dma_wait3A_120 = arith.constant 0 : i32
        %dma_wait3A_121 = arith.constant 0 : i32
        %dma_wait3A_122 = tpu.memref_slice %arg2[%dma_wait3A_120, %dma_wait3A_121] : memref<10000x128xf32, #tpu.memory_space<hbm>> -> memref<10000x128xf32, #tpu.memory_space<hbm>>
        tpu.wait_indirect_dma semaphore(%arg12 : memref<!tpu.dma_semaphore, #tpu.memory_space<semaphore_mem>>) src(%dma_wait3A_122 : memref<10000x128xf32, #tpu.memory_space<hbm>>) dst(%arg9 : memref<125x128xf32, #tpu.memory_space<vmem>>)
        %mul3A_123 = arith.constant 2 : i32
        %mul3A_124 = arith.muli %mul3A_123, %mul3A_83 : i32
        %add3A_125 = arith.constant 3 : i32
        %add3A_126 = arith.addi %mul3A_124, %add3A_125 : i32
        "tpu.region"() ({
          %run_scoped3A = tpu.sem_alloc : memref<!tpu.dma_semaphore, #tpu.memory_space<semaphore_mem>>
          %dma_start3A_127 = arith.constant 0 : i32
          %dma_start3A_128 = tpu.memref_slice %arg7[%add3A_126, %dma_start3A_127] : memref<40x125xi32, #tpu.memory_space<vmem>> -> memref<1x125xi32, #tpu.memory_space<vmem>>
          %dma_start3A_129 = tpu.memref_squeeze %dma_start3A_128 : memref<1x125xi32, #tpu.memory_space<vmem>> -> memref<125xi32, #tpu.memory_space<vmem>>
          %dma_start3A_130 = arith.constant 0 : i32
          %dma_start3A_131 = arith.constant 0 : i32
          %dma_start3A_132 = tpu.memref_slice %arg10[%dma_start3A_130, %dma_start3A_131] : memref<10240x128xf32, #tpu.memory_space<vmem_shared>> -> memref<10240x128xf32, #tpu.memory_space<vmem_shared>>
          tpu.enqueue_indirect_dma source(%arg9 : memref<125x128xf32, #tpu.memory_space<vmem>>) target(%dma_start3A_132 : memref<10240x128xf32, #tpu.memory_space<vmem_shared>>) offsets(%dma_start3A_129 : memref<125xi32, #tpu.memory_space<vmem>>) semaphore(%run_scoped3A : memref<!tpu.dma_semaphore, #tpu.memory_space<semaphore_mem>>) {add = true}
          %dma_wait3A_133 = arith.constant 0 : i32
          %dma_wait3A_134 = tpu.memref_slice %arg7[%add3A_126, %dma_wait3A_133] : memref<40x125xi32, #tpu.memory_space<vmem>> -> memref<1x125xi32, #tpu.memory_space<vmem>>
          %dma_wait3A_135 = tpu.memref_squeeze %dma_wait3A_134 : memref<1x125xi32, #tpu.memory_space<vmem>> -> memref<125xi32, #tpu.memory_space<vmem>>
          %dma_wait3A_136 = arith.constant 0 : i32
          %dma_wait3A_137 = arith.constant 0 : i32
          %dma_wait3A_138 = tpu.memref_slice %arg10[%dma_wait3A_136, %dma_wait3A_137] : memref<10240x128xf32, #tpu.memory_space<vmem_shared>> -> memref<10240x128xf32, #tpu.memory_space<vmem_shared>>
          tpu.wait_indirect_dma semaphore(%run_scoped3A : memref<!tpu.dma_semaphore, #tpu.memory_space<semaphore_mem>>) src(%arg9 : memref<125x128xf32, #tpu.memory_space<vmem>>) dst(%dma_wait3A_138 : memref<10240x128xf32, #tpu.memory_space<vmem_shared>>)
          tpu.yield
        }) : () -> ()
      }
      %scan3A_80 = arith.constant 10 : i32
    }
    %scan3A_15 = arith.constant 2 : i32
    %barrier3A_16 = arith.constant 0 : index
    tpu.barrier barrier_id(%barrier3A_16)
    %mul3A_17 = arith.constant 640 : i32
    %mul3A_18 = arith.muli %arg1, %mul3A_17 : i32
    %mul3A_19 = arith.constant 640 : i32
    %mul3A_20 = arith.muli %arg1, %mul3A_19 : i32
    "tpu.region"() ({
      %run_scoped3A = tpu.sem_alloc : memref<!tpu.dma_semaphore, #tpu.memory_space<semaphore_mem>>
      %dma_start3A_21 = arith.constant 0 : i32
      %dma_start3A_22 = tpu.memref_slice %arg5[%arg0, %mul3A_20, %dma_start3A_21] : memref<2x10240x128xf32, #tpu.memory_space<hbm>> -> memref<1x640x128xf32, #tpu.memory_space<hbm>>
      %dma_start3A_23 = tpu.memref_squeeze %dma_start3A_22 : memref<1x640x128xf32, #tpu.memory_space<hbm>> -> memref<640x128xf32, #tpu.memory_space<hbm>>
      %dma_start3A_24 = arith.constant 0 : i32
      %dma_start3A_25 = tpu.memref_slice %arg10[%mul3A_18, %dma_start3A_24] : memref<10240x128xf32, #tpu.memory_space<vmem_shared>> -> memref<640x128xf32, #tpu.memory_space<vmem_shared>>
      tpu.enqueue_dma source(%dma_start3A_25 : memref<640x128xf32, #tpu.memory_space<vmem_shared>>) target(%dma_start3A_23 : memref<640x128xf32, #tpu.memory_space<hbm>>) target_semaphore(%run_scoped3A : memref<!tpu.dma_semaphore, #tpu.memory_space<semaphore_mem>>)
      %dma_wait3A = arith.constant 0 : i32
      %dma_wait3A_26 = tpu.memref_slice %arg5[%arg0, %mul3A_20, %dma_wait3A] : memref<2x10240x128xf32, #tpu.memory_space<hbm>> -> memref<1x640x128xf32, #tpu.memory_space<hbm>>
      %dma_wait3A_27 = tpu.memref_squeeze %dma_wait3A_26 : memref<1x640x128xf32, #tpu.memory_space<hbm>> -> memref<640x128xf32, #tpu.memory_space<hbm>>
      %dma_wait3A_28 = arith.constant 0 : i32
      %dma_wait3A_29 = tpu.memref_slice %arg10[%mul3A_18, %dma_wait3A_28] : memref<10240x128xf32, #tpu.memory_space<vmem_shared>> -> memref<640x128xf32, #tpu.memory_space<vmem_shared>>
      tpu.wait_dma2 semaphore(%run_scoped3A : memref<!tpu.dma_semaphore, #tpu.memory_space<semaphore_mem>>) src(%dma_wait3A_29 : memref<640x128xf32, #tpu.memory_space<vmem_shared>>) dst(%dma_wait3A_27 : memref<640x128xf32, #tpu.memory_space<hbm>>)
      tpu.yield
    }) : () -> ()
    return
  }
}

#map = affine_map<(d0, d1) -> (0, 0, 0)>
#map1 = affine_map<(d0, d1) -> (0, 0)>
module attributes {stable_mosaic.version = 14 : i64} {
  func.func @_hist(%arg0: i32, %arg1: i32, %arg2: memref<32x80x125xi32, #tpu.memory_space<hbm>>, %arg3: memref<125x16xf32, #tpu.memory_space<hbm>>, %arg4: memref<640x16xf32, #tpu.memory_space<hbm>>, %arg5: memref<2x10240x16xf32, #tpu.memory_space<hbm>>, %arg6: memref<80x125xi32, #tpu.memory_space<vmem>>, %arg7: memref<125x16xf32, #tpu.memory_space<vmem>>, %arg8: memref<10240x16xf32, #tpu.memory_space<vmem_shared>>) attributes {dimension_semantics = [#tpu.dimension_semantics<core_parallel>, #tpu.dimension_semantics<subcore_parallel>], iteration_bounds = array<i64: 2, 16>, scalar_prefetch = 0 : i64, scratch_operands = 3 : i64, tpu.core_type = #tpu.core_type<sc_vector_subcore>, window_params = [{transform_indices = #map}, {transform_indices = #map1}, {transform_indices = #map1}, {transform_indices = #map}]} {
    %mul3A = arith.constant 16 : i32
    %mul3A_0 = arith.muli %arg0, %mul3A : i32
    %add3A = arith.addi %mul3A_0, %arg1 : i32
    "tpu.region"() ({
      %run_scoped3A = tpu.sem_alloc : memref<!tpu.dma_semaphore, #tpu.memory_space<semaphore_mem>>
      %dma_start3A = arith.constant 0 : i32
      %dma_start3A_13 = arith.constant 0 : i32
      %dma_start3A_14 = tpu.memref_slice %arg2[%add3A, %dma_start3A, %dma_start3A_13] : memref<32x80x125xi32, #tpu.memory_space<hbm>> -> memref<1x80x125xi32, #tpu.memory_space<hbm>>
      %dma_start3A_15 = tpu.memref_squeeze %dma_start3A_14 : memref<1x80x125xi32, #tpu.memory_space<hbm>> -> memref<80x125xi32, #tpu.memory_space<hbm>>
      %dma_start3A_16 = arith.constant 0 : i32
      %dma_start3A_17 = arith.constant 0 : i32
      %dma_start3A_18 = tpu.memref_slice %arg2[%add3A, %dma_start3A_16, %dma_start3A_17] : memref<32x80x125xi32, #tpu.memory_space<hbm>> -> memref<1x80x125xi32, #tpu.memory_space<hbm>>
      %dma_start3A_19 = tpu.memref_squeeze %dma_start3A_18 : memref<1x80x125xi32, #tpu.memory_space<hbm>> -> memref<80x125xi32, #tpu.memory_space<hbm>>
      tpu.enqueue_dma source(%dma_start3A_19 : memref<80x125xi32, #tpu.memory_space<hbm>>) target(%arg6 : memref<80x125xi32, #tpu.memory_space<vmem>>) target_semaphore(%run_scoped3A : memref<!tpu.dma_semaphore, #tpu.memory_space<semaphore_mem>>)
      %dma_wait3A = arith.constant 0 : i32
      %dma_wait3A_20 = arith.constant 0 : i32
      %dma_wait3A_21 = tpu.memref_slice %arg2[%add3A, %dma_wait3A, %dma_wait3A_20] : memref<32x80x125xi32, #tpu.memory_space<hbm>> -> memref<1x80x125xi32, #tpu.memory_space<hbm>>
      %dma_wait3A_22 = tpu.memref_squeeze %dma_wait3A_21 : memref<1x80x125xi32, #tpu.memory_space<hbm>> -> memref<80x125xi32, #tpu.memory_space<hbm>>
      %dma_wait3A_23 = arith.constant 0 : i32
      %dma_wait3A_24 = arith.constant 0 : i32
      %dma_wait3A_25 = tpu.memref_slice %arg2[%add3A, %dma_wait3A_23, %dma_wait3A_24] : memref<32x80x125xi32, #tpu.memory_space<hbm>> -> memref<1x80x125xi32, #tpu.memory_space<hbm>>
      %dma_wait3A_26 = tpu.memref_squeeze %dma_wait3A_25 : memref<1x80x125xi32, #tpu.memory_space<hbm>> -> memref<80x125xi32, #tpu.memory_space<hbm>>
      tpu.wait_dma2 semaphore(%run_scoped3A : memref<!tpu.dma_semaphore, #tpu.memory_space<semaphore_mem>>) src(%dma_wait3A_26 : memref<80x125xi32, #tpu.memory_space<hbm>>) dst(%arg6 : memref<80x125xi32, #tpu.memory_space<vmem>>)
      tpu.yield
    }) : () -> ()
    "tpu.region"() ({
      %run_scoped3A = tpu.sem_alloc : memref<!tpu.dma_semaphore, #tpu.memory_space<semaphore_mem>>
      tpu.enqueue_dma source(%arg3 : memref<125x16xf32, #tpu.memory_space<hbm>>) target(%arg7 : memref<125x16xf32, #tpu.memory_space<vmem>>) target_semaphore(%run_scoped3A : memref<!tpu.dma_semaphore, #tpu.memory_space<semaphore_mem>>)
      tpu.wait_dma2 semaphore(%run_scoped3A : memref<!tpu.dma_semaphore, #tpu.memory_space<semaphore_mem>>) src(%arg3 : memref<125x16xf32, #tpu.memory_space<hbm>>) dst(%arg7 : memref<125x16xf32, #tpu.memory_space<vmem>>)
      tpu.yield
    }) : () -> ()
    %mul3A_1 = arith.constant 640 : i32
    %mul3A_2 = arith.muli %arg1, %mul3A_1 : i32
    "tpu.region"() ({
      %run_scoped3A = tpu.sem_alloc : memref<!tpu.dma_semaphore, #tpu.memory_space<semaphore_mem>>
      %dma_start3A = arith.constant 0 : i32
      %dma_start3A_13 = tpu.memref_slice %arg8[%mul3A_2, %dma_start3A] : memref<10240x16xf32, #tpu.memory_space<vmem_shared>> -> memref<640x16xf32, #tpu.memory_space<vmem_shared>>
      tpu.enqueue_dma source(%arg4 : memref<640x16xf32, #tpu.memory_space<hbm>>) target(%dma_start3A_13 : memref<640x16xf32, #tpu.memory_space<vmem_shared>>) target_semaphore(%run_scoped3A : memref<!tpu.dma_semaphore, #tpu.memory_space<semaphore_mem>>)
      %dma_wait3A = arith.constant 0 : i32
      %dma_wait3A_14 = tpu.memref_slice %arg8[%mul3A_2, %dma_wait3A] : memref<10240x16xf32, #tpu.memory_space<vmem_shared>> -> memref<640x16xf32, #tpu.memory_space<vmem_shared>>
      tpu.wait_dma2 semaphore(%run_scoped3A : memref<!tpu.dma_semaphore, #tpu.memory_space<semaphore_mem>>) src(%arg4 : memref<640x16xf32, #tpu.memory_space<hbm>>) dst(%dma_wait3A_14 : memref<640x16xf32, #tpu.memory_space<vmem_shared>>)
      tpu.yield
    }) : () -> ()
    %barrier3A = arith.constant 0 : index
    tpu.barrier barrier_id(%barrier3A)
    %scan3A = arith.constant 0 : i32
    %scan3A_3 = arith.constant 0 : i32
    %scan3A_4 = arith.constant 80 : i32
    %scan3A_5 = arith.addi %scan3A_3, %scan3A_4 : i32
    %scan3A_6 = arith.constant 1 : i32
    scf.for %scan3A_13 = %scan3A_3 to %scan3A_5 step %scan3A_6  : i32 {
      "tpu.region"() ({
        %run_scoped3A = tpu.sem_alloc : memref<!tpu.dma_semaphore, #tpu.memory_space<semaphore_mem>>
        %dma_start3A = arith.constant 0 : i32
        %dma_start3A_14 = tpu.memref_slice %arg6[%scan3A_13, %dma_start3A] : memref<80x125xi32, #tpu.memory_space<vmem>> -> memref<1x125xi32, #tpu.memory_space<vmem>>
        %dma_start3A_15 = tpu.memref_squeeze %dma_start3A_14 : memref<1x125xi32, #tpu.memory_space<vmem>> -> memref<125xi32, #tpu.memory_space<vmem>>
        %dma_start3A_16 = arith.constant 0 : i32
        %dma_start3A_17 = arith.constant 0 : i32
        %dma_start3A_18 = tpu.memref_slice %arg8[%dma_start3A_16, %dma_start3A_17] : memref<10240x16xf32, #tpu.memory_space<vmem_shared>> -> memref<10240x16xf32, #tpu.memory_space<vmem_shared>>
        tpu.enqueue_indirect_dma source(%arg7 : memref<125x16xf32, #tpu.memory_space<vmem>>) target(%dma_start3A_18 : memref<10240x16xf32, #tpu.memory_space<vmem_shared>>) offsets(%dma_start3A_15 : memref<125xi32, #tpu.memory_space<vmem>>) semaphore(%run_scoped3A : memref<!tpu.dma_semaphore, #tpu.memory_space<semaphore_mem>>) {add = true}
        %dma_wait3A = arith.constant 0 : i32
        %dma_wait3A_19 = tpu.memref_slice %arg6[%scan3A_13, %dma_wait3A] : memref<80x125xi32, #tpu.memory_space<vmem>> -> memref<1x125xi32, #tpu.memory_space<vmem>>
        %dma_wait3A_20 = tpu.memref_squeeze %dma_wait3A_19 : memref<1x125xi32, #tpu.memory_space<vmem>> -> memref<125xi32, #tpu.memory_space<vmem>>
        %dma_wait3A_21 = arith.constant 0 : i32
        %dma_wait3A_22 = arith.constant 0 : i32
        %dma_wait3A_23 = tpu.memref_slice %arg8[%dma_wait3A_21, %dma_wait3A_22] : memref<10240x16xf32, #tpu.memory_space<vmem_shared>> -> memref<10240x16xf32, #tpu.memory_space<vmem_shared>>
        tpu.wait_indirect_dma semaphore(%run_scoped3A : memref<!tpu.dma_semaphore, #tpu.memory_space<semaphore_mem>>) src(%arg7 : memref<125x16xf32, #tpu.memory_space<vmem>>) dst(%dma_wait3A_23 : memref<10240x16xf32, #tpu.memory_space<vmem_shared>>)
        tpu.yield
      }) : () -> ()
    }
    %scan3A_7 = arith.constant 80 : i32
    %barrier3A_8 = arith.constant 0 : index
    tpu.barrier barrier_id(%barrier3A_8)
    %mul3A_9 = arith.constant 640 : i32
    %mul3A_10 = arith.muli %arg1, %mul3A_9 : i32
    %mul3A_11 = arith.constant 640 : i32
    %mul3A_12 = arith.muli %arg1, %mul3A_11 : i32
    "tpu.region"() ({
      %run_scoped3A = tpu.sem_alloc : memref<!tpu.dma_semaphore, #tpu.memory_space<semaphore_mem>>
      %dma_start3A = arith.constant 0 : i32
      %dma_start3A_13 = tpu.memref_slice %arg5[%arg0, %mul3A_12, %dma_start3A] : memref<2x10240x16xf32, #tpu.memory_space<hbm>> -> memref<1x640x16xf32, #tpu.memory_space<hbm>>
      %dma_start3A_14 = tpu.memref_squeeze %dma_start3A_13 : memref<1x640x16xf32, #tpu.memory_space<hbm>> -> memref<640x16xf32, #tpu.memory_space<hbm>>
      %dma_start3A_15 = arith.constant 0 : i32
      %dma_start3A_16 = tpu.memref_slice %arg8[%mul3A_10, %dma_start3A_15] : memref<10240x16xf32, #tpu.memory_space<vmem_shared>> -> memref<640x16xf32, #tpu.memory_space<vmem_shared>>
      tpu.enqueue_dma source(%dma_start3A_16 : memref<640x16xf32, #tpu.memory_space<vmem_shared>>) target(%dma_start3A_14 : memref<640x16xf32, #tpu.memory_space<hbm>>) target_semaphore(%run_scoped3A : memref<!tpu.dma_semaphore, #tpu.memory_space<semaphore_mem>>)
      %dma_wait3A = arith.constant 0 : i32
      %dma_wait3A_17 = tpu.memref_slice %arg5[%arg0, %mul3A_12, %dma_wait3A] : memref<2x10240x16xf32, #tpu.memory_space<hbm>> -> memref<1x640x16xf32, #tpu.memory_space<hbm>>
      %dma_wait3A_18 = tpu.memref_squeeze %dma_wait3A_17 : memref<1x640x16xf32, #tpu.memory_space<hbm>> -> memref<640x16xf32, #tpu.memory_space<hbm>>
      %dma_wait3A_19 = arith.constant 0 : i32
      %dma_wait3A_20 = tpu.memref_slice %arg8[%mul3A_10, %dma_wait3A_19] : memref<10240x16xf32, #tpu.memory_space<vmem_shared>> -> memref<640x16xf32, #tpu.memory_space<vmem_shared>>
      tpu.wait_dma2 semaphore(%run_scoped3A : memref<!tpu.dma_semaphore, #tpu.memory_space<semaphore_mem>>) src(%dma_wait3A_20 : memref<640x16xf32, #tpu.memory_space<vmem_shared>>) dst(%dma_wait3A_18 : memref<640x16xf32, #tpu.memory_space<hbm>>)
      tpu.yield
    }) : () -> ()
    return
  }
}

#map = affine_map<(d0, d1) -> (0, 0)>
#map1 = affine_map<(d0, d1) -> (0, 0, 0, 0)>
#map2 = affine_map<(d0, d1) -> (0, 0, 0)>
module attributes {stable_mosaic.version = 14 : i64} {
  func.func @_prop(%arg0: i32, %arg1: i32, %arg2: memref<10000x128xf32, #tpu.memory_space<hbm>>, %arg3: memref<32x4x40x125xi32, #tpu.memory_space<hbm>>, %arg4: memref<640x128xf32, #tpu.memory_space<hbm>>, %arg5: memref<2x10240x128xf32, #tpu.memory_space<hbm>>, %arg6: memref<40x125xi32, #tpu.memory_space<vmem>>, %arg7: memref<40x125xi32, #tpu.memory_space<vmem>>, %arg8: memref<125x128xf32, #tpu.memory_space<vmem>>, %arg9: memref<125x128xf32, #tpu.memory_space<vmem>>, %arg10: memref<10240x128xf32, #tpu.memory_space<vmem_shared>>, %arg11: memref<!tpu.dma_semaphore, #tpu.memory_space<semaphore_mem>>, %arg12: memref<!tpu.dma_semaphore, #tpu.memory_space<semaphore_mem>>, %arg13: memref<!tpu.dma_semaphore, #tpu.memory_space<semaphore_mem>>, %arg14: memref<!tpu.dma_semaphore, #tpu.memory_space<semaphore_mem>>) attributes {dimension_semantics = [#tpu.dimension_semantics<core_parallel>, #tpu.dimension_semantics<subcore_parallel>], iteration_bounds = array<i64: 2, 16>, scalar_prefetch = 0 : i64, scratch_operands = 9 : i64, tpu.core_type = #tpu.core_type<sc_vector_subcore>, window_params = [{transform_indices = #map}, {transform_indices = #map1}, {transform_indices = #map}, {transform_indices = #map2}]} {
    %mul3A = arith.constant 16 : i32
    %mul3A_0 = arith.muli %arg0, %mul3A : i32
    %add3A = arith.addi %mul3A_0, %arg1 : i32
    %dma_start3A = arith.constant 0 : i32
    %dma_start3A_1 = arith.constant 0 : i32
    %dma_start3A_2 = arith.constant 0 : i32
    %dma_start3A_3 = tpu.memref_slice %arg3[%add3A, %dma_start3A, %dma_start3A_1, %dma_start3A_2] : memref<32x4x40x125xi32, #tpu.memory_space<hbm>> -> memref<1x1x40x125xi32, #tpu.memory_space<hbm>>
    %dma_start3A_4 = tpu.memref_squeeze %dma_start3A_3 : memref<1x1x40x125xi32, #tpu.memory_space<hbm>> -> memref<40x125xi32, #tpu.memory_space<hbm>>
    %dma_start3A_5 = arith.constant 0 : i32
    %dma_start3A_6 = arith.constant 0 : i32
    %dma_start3A_7 = tpu.memref_slice %arg3[%add3A, %dma_start3A, %dma_start3A_5, %dma_start3A_6] : memref<32x4x40x125xi32, #tpu.memory_space<hbm>> -> memref<1x1x40x125xi32, #tpu.memory_space<hbm>>
    %dma_start3A_8 = tpu.memref_squeeze %dma_start3A_7 : memref<1x1x40x125xi32, #tpu.memory_space<hbm>> -> memref<40x125xi32, #tpu.memory_space<hbm>>
    tpu.enqueue_dma source(%dma_start3A_8 : memref<40x125xi32, #tpu.memory_space<hbm>>) target(%arg6 : memref<40x125xi32, #tpu.memory_space<vmem>>) target_semaphore(%arg13 : memref<!tpu.dma_semaphore, #tpu.memory_space<semaphore_mem>>)
    %mul3A_9 = arith.constant 640 : i32
    %mul3A_10 = arith.muli %arg1, %mul3A_9 : i32
    "tpu.region"() ({
      %run_scoped3A = tpu.sem_alloc : memref<!tpu.dma_semaphore, #tpu.memory_space<semaphore_mem>>
      %dma_start3A_21 = arith.constant 0 : i32
      %dma_start3A_22 = tpu.memref_slice %arg10[%mul3A_10, %dma_start3A_21] : memref<10240x128xf32, #tpu.memory_space<vmem_shared>> -> memref<640x128xf32, #tpu.memory_space<vmem_shared>>
      tpu.enqueue_dma source(%arg4 : memref<640x128xf32, #tpu.memory_space<hbm>>) target(%dma_start3A_22 : memref<640x128xf32, #tpu.memory_space<vmem_shared>>) target_semaphore(%run_scoped3A : memref<!tpu.dma_semaphore, #tpu.memory_space<semaphore_mem>>)
      %dma_wait3A = arith.constant 0 : i32
      %dma_wait3A_23 = tpu.memref_slice %arg10[%mul3A_10, %dma_wait3A] : memref<10240x128xf32, #tpu.memory_space<vmem_shared>> -> memref<640x128xf32, #tpu.memory_space<vmem_shared>>
      tpu.wait_dma2 semaphore(%run_scoped3A : memref<!tpu.dma_semaphore, #tpu.memory_space<semaphore_mem>>) src(%arg4 : memref<640x128xf32, #tpu.memory_space<hbm>>) dst(%dma_wait3A_23 : memref<640x128xf32, #tpu.memory_space<vmem_shared>>)
      tpu.yield
    }) : () -> ()
    %barrier3A = arith.constant 0 : index
    tpu.barrier barrier_id(%barrier3A)
    %scan3A = arith.constant 0 : i32
    %scan3A_11 = arith.constant 0 : i32
    %scan3A_12 = arith.constant 2 : i32
    %scan3A_13 = arith.addi %scan3A_11, %scan3A_12 : i32
    %scan3A_14 = arith.constant 1 : i32
    scf.for %scan3A_21 = %scan3A_11 to %scan3A_13 step %scan3A_14  : i32 {
      %mul3A_22 = arith.constant 2 : i32
      %mul3A_23 = arith.muli %mul3A_22, %scan3A_21 : i32
      %dma_wait3A = arith.constant 0 : i32
      %dma_wait3A_24 = arith.constant 0 : i32
      %dma_wait3A_25 = tpu.memref_slice %arg3[%add3A, %mul3A_23, %dma_wait3A, %dma_wait3A_24] : memref<32x4x40x125xi32, #tpu.memory_space<hbm>> -> memref<1x1x40x125xi32, #tpu.memory_space<hbm>>
      %dma_wait3A_26 = tpu.memref_squeeze %dma_wait3A_25 : memref<1x1x40x125xi32, #tpu.memory_space<hbm>> -> memref<40x125xi32, #tpu.memory_space<hbm>>
      %dma_wait3A_27 = arith.constant 0 : i32
      %dma_wait3A_28 = arith.constant 0 : i32
      %dma_wait3A_29 = tpu.memref_slice %arg3[%add3A, %mul3A_23, %dma_wait3A_27, %dma_wait3A_28] : memref<32x4x40x125xi32, #tpu.memory_space<hbm>> -> memref<1x1x40x125xi32, #tpu.memory_space<hbm>>
      %dma_wait3A_30 = tpu.memref_squeeze %dma_wait3A_29 : memref<1x1x40x125xi32, #tpu.memory_space<hbm>> -> memref<40x125xi32, #tpu.memory_space<hbm>>
      tpu.wait_dma2 semaphore(%arg13 : memref<!tpu.dma_semaphore, #tpu.memory_space<semaphore_mem>>) src(%dma_wait3A_30 : memref<40x125xi32, #tpu.memory_space<hbm>>) dst(%arg6 : memref<40x125xi32, #tpu.memory_space<vmem>>)
      %add3A_31 = arith.constant 1 : i32
      %add3A_32 = arith.addi %mul3A_23, %add3A_31 : i32
      %dma_start3A_33 = arith.constant 0 : i32
      %dma_start3A_34 = arith.constant 0 : i32
      %dma_start3A_35 = tpu.memref_slice %arg3[%add3A, %add3A_32, %dma_start3A_33, %dma_start3A_34] : memref<32x4x40x125xi32, #tpu.memory_space<hbm>> -> memref<1x1x40x125xi32, #tpu.memory_space<hbm>>
      %dma_start3A_36 = tpu.memref_squeeze %dma_start3A_35 : memref<1x1x40x125xi32, #tpu.memory_space<hbm>> -> memref<40x125xi32, #tpu.memory_space<hbm>>
      %dma_start3A_37 = arith.constant 0 : i32
      %dma_start3A_38 = arith.constant 0 : i32
      %dma_start3A_39 = tpu.memref_slice %arg3[%add3A, %add3A_32, %dma_start3A_37, %dma_start3A_38] : memref<32x4x40x125xi32, #tpu.memory_space<hbm>> -> memref<1x1x40x125xi32, #tpu.memory_space<hbm>>
      %dma_start3A_40 = tpu.memref_squeeze %dma_start3A_39 : memref<1x1x40x125xi32, #tpu.memory_space<hbm>> -> memref<40x125xi32, #tpu.memory_space<hbm>>
      tpu.enqueue_dma source(%dma_start3A_40 : memref<40x125xi32, #tpu.memory_space<hbm>>) target(%arg7 : memref<40x125xi32, #tpu.memory_space<vmem>>) target_semaphore(%arg14 : memref<!tpu.dma_semaphore, #tpu.memory_space<semaphore_mem>>)
      %dma_start3A_41 = arith.constant 0 : i32
      %dma_start3A_42 = arith.constant 0 : i32
      %dma_start3A_43 = tpu.memref_slice %arg6[%dma_start3A_41, %dma_start3A_42] : memref<40x125xi32, #tpu.memory_space<vmem>> -> memref<1x125xi32, #tpu.memory_space<vmem>>
      %dma_start3A_44 = tpu.memref_squeeze %dma_start3A_43 : memref<1x125xi32, #tpu.memory_space<vmem>> -> memref<125xi32, #tpu.memory_space<vmem>>
      %dma_start3A_45 = arith.constant 0 : i32
      %dma_start3A_46 = arith.constant 0 : i32
      %dma_start3A_47 = tpu.memref_slice %arg2[%dma_start3A_45, %dma_start3A_46] : memref<10000x128xf32, #tpu.memory_space<hbm>> -> memref<10000x128xf32, #tpu.memory_space<hbm>>
      tpu.enqueue_indirect_dma source(%dma_start3A_47 : memref<10000x128xf32, #tpu.memory_space<hbm>>) target(%arg8 : memref<125x128xf32, #tpu.memory_space<vmem>>) offsets(%dma_start3A_44 : memref<125xi32, #tpu.memory_space<vmem>>) semaphore(%arg11 : memref<!tpu.dma_semaphore, #tpu.memory_space<semaphore_mem>>)
      %scan3A_48 = arith.constant 0 : i32
      %scan3A_49 = arith.constant 0 : i32
      %scan3A_50 = arith.constant 10 : i32
      %scan3A_51 = arith.addi %scan3A_49, %scan3A_50 : i32
      %scan3A_52 = arith.constant 1 : i32
      scf.for %scan3A_81 = %scan3A_49 to %scan3A_51 step %scan3A_52  : i32 {
        %mul3A_82 = arith.constant 2 : i32
        %mul3A_83 = arith.muli %mul3A_82, %scan3A_81 : i32
        %mul3A_84 = arith.constant 2 : i32
        %mul3A_85 = arith.muli %mul3A_84, %mul3A_83 : i32
        %add3A_86 = arith.constant 2 : i32
        %add3A_87 = arith.addi %mul3A_85, %add3A_86 : i32
        %dma_start3A_88 = arith.constant 0 : i32
        %dma_start3A_89 = tpu.memref_slice %arg6[%add3A_87, %dma_start3A_88] : memref<40x125xi32, #tpu.memory_space<vmem>> -> memref<1x125xi32, #tpu.memory_space<vmem>>
        %dma_start3A_90 = tpu.memref_squeeze %dma_start3A_89 : memref<1x125xi32, #tpu.memory_space<vmem>> -> memref<125xi32, #tpu.memory_space<vmem>>
        %dma_start3A_91 = arith.constant 0 : i32
        %dma_start3A_92 = arith.constant 0 : i32
        %dma_start3A_93 = tpu.memref_slice %arg2[%dma_start3A_91, %dma_start3A_92] : memref<10000x128xf32, #tpu.memory_space<hbm>> -> memref<10000x128xf32, #tpu.memory_space<hbm>>
        tpu.enqueue_indirect_dma source(%dma_start3A_93 : memref<10000x128xf32, #tpu.memory_space<hbm>>) target(%arg9 : memref<125x128xf32, #tpu.memory_space<vmem>>) offsets(%dma_start3A_90 : memref<125xi32, #tpu.memory_space<vmem>>) semaphore(%arg12 : memref<!tpu.dma_semaphore, #tpu.memory_space<semaphore_mem>>)
        %mul3A_94 = arith.constant 2 : i32
        %mul3A_95 = arith.muli %mul3A_94, %mul3A_83 : i32
        %dma_wait3A_96 = arith.constant 0 : i32
        %dma_wait3A_97 = tpu.memref_slice %arg6[%mul3A_95, %dma_wait3A_96] : memref<40x125xi32, #tpu.memory_space<vmem>> -> memref<1x125xi32, #tpu.memory_space<vmem>>
        %dma_wait3A_98 = tpu.memref_squeeze %dma_wait3A_97 : memref<1x125xi32, #tpu.memory_space<vmem>> -> memref<125xi32, #tpu.memory_space<vmem>>
        %dma_wait3A_99 = arith.constant 0 : i32
        %dma_wait3A_100 = arith.constant 0 : i32
        %dma_wait3A_101 = tpu.memref_slice %arg2[%dma_wait3A_99, %dma_wait3A_100] : memref<10000x128xf32, #tpu.memory_space<hbm>> -> memref<10000x128xf32, #tpu.memory_space<hbm>>
        tpu.wait_indirect_dma semaphore(%arg11 : memref<!tpu.dma_semaphore, #tpu.memory_space<semaphore_mem>>) src(%dma_wait3A_101 : memref<10000x128xf32, #tpu.memory_space<hbm>>) dst(%arg8 : memref<125x128xf32, #tpu.memory_space<vmem>>)
        %mul3A_102 = arith.constant 2 : i32
        %mul3A_103 = arith.muli %mul3A_102, %mul3A_83 : i32
        %add3A_104 = arith.constant 1 : i32
        %add3A_105 = arith.addi %mul3A_103, %add3A_104 : i32
        "tpu.region"() ({
          %run_scoped3A = tpu.sem_alloc : memref<!tpu.dma_semaphore, #tpu.memory_space<semaphore_mem>>
          %dma_start3A_127 = arith.constant 0 : i32
          %dma_start3A_128 = tpu.memref_slice %arg6[%add3A_105, %dma_start3A_127] : memref<40x125xi32, #tpu.memory_space<vmem>> -> memref<1x125xi32, #tpu.memory_space<vmem>>
          %dma_start3A_129 = tpu.memref_squeeze %dma_start3A_128 : memref<1x125xi32, #tpu.memory_space<vmem>> -> memref<125xi32, #tpu.memory_space<vmem>>
          %dma_start3A_130 = arith.constant 0 : i32
          %dma_start3A_131 = arith.constant 0 : i32
          %dma_start3A_132 = tpu.memref_slice %arg10[%dma_start3A_130, %dma_start3A_131] : memref<10240x128xf32, #tpu.memory_space<vmem_shared>> -> memref<10240x128xf32, #tpu.memory_space<vmem_shared>>
          tpu.enqueue_indirect_dma source(%arg8 : memref<125x128xf32, #tpu.memory_space<vmem>>) target(%dma_start3A_132 : memref<10240x128xf32, #tpu.memory_space<vmem_shared>>) offsets(%dma_start3A_129 : memref<125xi32, #tpu.memory_space<vmem>>) semaphore(%run_scoped3A : memref<!tpu.dma_semaphore, #tpu.memory_space<semaphore_mem>>) {add = true}
          %dma_wait3A_133 = arith.constant 0 : i32
          %dma_wait3A_134 = tpu.memref_slice %arg6[%add3A_105, %dma_wait3A_133] : memref<40x125xi32, #tpu.memory_space<vmem>> -> memref<1x125xi32, #tpu.memory_space<vmem>>
          %dma_wait3A_135 = tpu.memref_squeeze %dma_wait3A_134 : memref<1x125xi32, #tpu.memory_space<vmem>> -> memref<125xi32, #tpu.memory_space<vmem>>
          %dma_wait3A_136 = arith.constant 0 : i32
          %dma_wait3A_137 = arith.constant 0 : i32
          %dma_wait3A_138 = tpu.memref_slice %arg10[%dma_wait3A_136, %dma_wait3A_137] : memref<10240x128xf32, #tpu.memory_space<vmem_shared>> -> memref<10240x128xf32, #tpu.memory_space<vmem_shared>>
          tpu.wait_indirect_dma semaphore(%run_scoped3A : memref<!tpu.dma_semaphore, #tpu.memory_space<semaphore_mem>>) src(%arg8 : memref<125x128xf32, #tpu.memory_space<vmem>>) dst(%dma_wait3A_138 : memref<10240x128xf32, #tpu.memory_space<vmem_shared>>)
          tpu.yield
        }) : () -> ()
        %add3A_106 = arith.constant 2 : i32
        %add3A_107 = arith.addi %mul3A_83, %add3A_106 : i32
        %lt3A_108 = arith.constant 20 : i32
        %lt3A_109 = arith.cmpi slt, %add3A_107, %lt3A_108 : i32
        %convert_element_type3A_110 = arith.extui %lt3A_109 : i1 to i32
        %cond3A_111 = arith.constant 0 : i32
        %cond3A_112 = arith.cmpi ne, %convert_element_type3A_110, %cond3A_111 : i32
        scf.if %cond3A_112 {
          %mul3A_127 = arith.constant 2 : i32
          %mul3A_128 = arith.muli %mul3A_127, %mul3A_83 : i32
          %add3A_129 = arith.constant 4 : i32
          %add3A_130 = arith.addi %mul3A_128, %add3A_129 : i32
          %dma_start3A_131 = arith.constant 0 : i32
          %dma_start3A_132 = tpu.memref_slice %arg6[%add3A_130, %dma_start3A_131] : memref<40x125xi32, #tpu.memory_space<vmem>> -> memref<1x125xi32, #tpu.memory_space<vmem>>
          %dma_start3A_133 = tpu.memref_squeeze %dma_start3A_132 : memref<1x125xi32, #tpu.memory_space<vmem>> -> memref<125xi32, #tpu.memory_space<vmem>>
          %dma_start3A_134 = arith.constant 0 : i32
          %dma_start3A_135 = arith.constant 0 : i32
          %dma_start3A_136 = tpu.memref_slice %arg2[%dma_start3A_134, %dma_start3A_135] : memref<10000x128xf32, #tpu.memory_space<hbm>> -> memref<10000x128xf32, #tpu.memory_space<hbm>>
          tpu.enqueue_indirect_dma source(%dma_start3A_136 : memref<10000x128xf32, #tpu.memory_space<hbm>>) target(%arg8 : memref<125x128xf32, #tpu.memory_space<vmem>>) offsets(%dma_start3A_133 : memref<125xi32, #tpu.memory_space<vmem>>) semaphore(%arg11 : memref<!tpu.dma_semaphore, #tpu.memory_space<semaphore_mem>>)
        } else {
        }
        %mul3A_113 = arith.constant 2 : i32
        %mul3A_114 = arith.muli %mul3A_113, %mul3A_83 : i32
        %add3A_115 = arith.constant 2 : i32
        %add3A_116 = arith.addi %mul3A_114, %add3A_115 : i32
        %dma_wait3A_117 = arith.constant 0 : i32
        %dma_wait3A_118 = tpu.memref_slice %arg6[%add3A_116, %dma_wait3A_117] : memref<40x125xi32, #tpu.memory_space<vmem>> -> memref<1x125xi32, #tpu.memory_space<vmem>>
        %dma_wait3A_119 = tpu.memref_squeeze %dma_wait3A_118 : memref<1x125xi32, #tpu.memory_space<vmem>> -> memref<125xi32, #tpu.memory_space<vmem>>
        %dma_wait3A_120 = arith.constant 0 : i32
        %dma_wait3A_121 = arith.constant 0 : i32
        %dma_wait3A_122 = tpu.memref_slice %arg2[%dma_wait3A_120, %dma_wait3A_121] : memref<10000x128xf32, #tpu.memory_space<hbm>> -> memref<10000x128xf32, #tpu.memory_space<hbm>>
        tpu.wait_indirect_dma semaphore(%arg12 : memref<!tpu.dma_semaphore, #tpu.memory_space<semaphore_mem>>) src(%dma_wait3A_122 : memref<10000x128xf32, #tpu.memory_space<hbm>>) dst(%arg9 : memref<125x128xf32, #tpu.memory_space<vmem>>)
        %mul3A_123 = arith.constant 2 : i32
        %mul3A_124 = arith.muli %mul3A_123, %mul3A_83 : i32
        %add3A_125 = arith.constant 3 : i32
        %add3A_126 = arith.addi %mul3A_124, %add3A_125 : i32
        "tpu.region"() ({
          %run_scoped3A = tpu.sem_alloc : memref<!tpu.dma_semaphore, #tpu.memory_space<semaphore_mem>>
          %dma_start3A_127 = arith.constant 0 : i32
          %dma_start3A_128 = tpu.memref_slice %arg6[%add3A_126, %dma_start3A_127] : memref<40x125xi32, #tpu.memory_space<vmem>> -> memref<1x125xi32, #tpu.memory_space<vmem>>
          %dma_start3A_129 = tpu.memref_squeeze %dma_start3A_128 : memref<1x125xi32, #tpu.memory_space<vmem>> -> memref<125xi32, #tpu.memory_space<vmem>>
          %dma_start3A_130 = arith.constant 0 : i32
          %dma_start3A_131 = arith.constant 0 : i32
          %dma_start3A_132 = tpu.memref_slice %arg10[%dma_start3A_130, %dma_start3A_131] : memref<10240x128xf32, #tpu.memory_space<vmem_shared>> -> memref<10240x128xf32, #tpu.memory_space<vmem_shared>>
          tpu.enqueue_indirect_dma source(%arg9 : memref<125x128xf32, #tpu.memory_space<vmem>>) target(%dma_start3A_132 : memref<10240x128xf32, #tpu.memory_space<vmem_shared>>) offsets(%dma_start3A_129 : memref<125xi32, #tpu.memory_space<vmem>>) semaphore(%run_scoped3A : memref<!tpu.dma_semaphore, #tpu.memory_space<semaphore_mem>>) {add = true}
          %dma_wait3A_133 = arith.constant 0 : i32
          %dma_wait3A_134 = tpu.memref_slice %arg6[%add3A_126, %dma_wait3A_133] : memref<40x125xi32, #tpu.memory_space<vmem>> -> memref<1x125xi32, #tpu.memory_space<vmem>>
          %dma_wait3A_135 = tpu.memref_squeeze %dma_wait3A_134 : memref<1x125xi32, #tpu.memory_space<vmem>> -> memref<125xi32, #tpu.memory_space<vmem>>
          %dma_wait3A_136 = arith.constant 0 : i32
          %dma_wait3A_137 = arith.constant 0 : i32
          %dma_wait3A_138 = tpu.memref_slice %arg10[%dma_wait3A_136, %dma_wait3A_137] : memref<10240x128xf32, #tpu.memory_space<vmem_shared>> -> memref<10240x128xf32, #tpu.memory_space<vmem_shared>>
          tpu.wait_indirect_dma semaphore(%run_scoped3A : memref<!tpu.dma_semaphore, #tpu.memory_space<semaphore_mem>>) src(%arg9 : memref<125x128xf32, #tpu.memory_space<vmem>>) dst(%dma_wait3A_138 : memref<10240x128xf32, #tpu.memory_space<vmem_shared>>)
          tpu.yield
        }) : () -> ()
      }
      %scan3A_53 = arith.constant 10 : i32
      %add3A_54 = arith.constant 1 : i32
      %add3A_55 = arith.addi %mul3A_23, %add3A_54 : i32
      %dma_wait3A_56 = arith.constant 0 : i32
      %dma_wait3A_57 = arith.constant 0 : i32
      %dma_wait3A_58 = tpu.memref_slice %arg3[%add3A, %add3A_55, %dma_wait3A_56, %dma_wait3A_57] : memref<32x4x40x125xi32, #tpu.memory_space<hbm>> -> memref<1x1x40x125xi32, #tpu.memory_space<hbm>>
      %dma_wait3A_59 = tpu.memref_squeeze %dma_wait3A_58 : memref<1x1x40x125xi32, #tpu.memory_space<hbm>> -> memref<40x125xi32, #tpu.memory_space<hbm>>
      %dma_wait3A_60 = arith.constant 0 : i32
      %dma_wait3A_61 = arith.constant 0 : i32
      %dma_wait3A_62 = tpu.memref_slice %arg3[%add3A, %add3A_55, %dma_wait3A_60, %dma_wait3A_61] : memref<32x4x40x125xi32, #tpu.memory_space<hbm>> -> memref<1x1x40x125xi32, #tpu.memory_space<hbm>>
      %dma_wait3A_63 = tpu.memref_squeeze %dma_wait3A_62 : memref<1x1x40x125xi32, #tpu.memory_space<hbm>> -> memref<40x125xi32, #tpu.memory_space<hbm>>
      tpu.wait_dma2 semaphore(%arg14 : memref<!tpu.dma_semaphore, #tpu.memory_space<semaphore_mem>>) src(%dma_wait3A_63 : memref<40x125xi32, #tpu.memory_space<hbm>>) dst(%arg7 : memref<40x125xi32, #tpu.memory_space<vmem>>)
      %add3A_64 = arith.constant 2 : i32
      %add3A_65 = arith.addi %mul3A_23, %add3A_64 : i32
      %lt3A = arith.constant 4 : i32
      %lt3A_66 = arith.cmpi slt, %add3A_65, %lt3A : i32
      %convert_element_type3A = arith.extui %lt3A_66 : i1 to i32
      %cond3A = arith.constant 0 : i32
      %cond3A_67 = arith.cmpi ne, %convert_element_type3A, %cond3A : i32
      scf.if %cond3A_67 {
        %add3A_81 = arith.constant 2 : i32
        %add3A_82 = arith.addi %mul3A_23, %add3A_81 : i32
        %dma_start3A_83 = arith.constant 0 : i32
        %dma_start3A_84 = arith.constant 0 : i32
        %dma_start3A_85 = tpu.memref_slice %arg3[%add3A, %add3A_82, %dma_start3A_83, %dma_start3A_84] : memref<32x4x40x125xi32, #tpu.memory_space<hbm>> -> memref<1x1x40x125xi32, #tpu.memory_space<hbm>>
        %dma_start3A_86 = tpu.memref_squeeze %dma_start3A_85 : memref<1x1x40x125xi32, #tpu.memory_space<hbm>> -> memref<40x125xi32, #tpu.memory_space<hbm>>
        %dma_start3A_87 = arith.constant 0 : i32
        %dma_start3A_88 = arith.constant 0 : i32
        %dma_start3A_89 = tpu.memref_slice %arg3[%add3A, %add3A_82, %dma_start3A_87, %dma_start3A_88] : memref<32x4x40x125xi32, #tpu.memory_space<hbm>> -> memref<1x1x40x125xi32, #tpu.memory_space<hbm>>
        %dma_start3A_90 = tpu.memref_squeeze %dma_start3A_89 : memref<1x1x40x125xi32, #tpu.memory_space<hbm>> -> memref<40x125xi32, #tpu.memory_space<hbm>>
        tpu.enqueue_dma source(%dma_start3A_90 : memref<40x125xi32, #tpu.memory_space<hbm>>) target(%arg6 : memref<40x125xi32, #tpu.memory_space<vmem>>) target_semaphore(%arg13 : memref<!tpu.dma_semaphore, #tpu.memory_space<semaphore_mem>>)
      } else {
      }
      %dma_start3A_68 = arith.constant 0 : i32
      %dma_start3A_69 = arith.constant 0 : i32
      %dma_start3A_70 = tpu.memref_slice %arg7[%dma_start3A_68, %dma_start3A_69] : memref<40x125xi32, #tpu.memory_space<vmem>> -> memref<1x125xi32, #tpu.memory_space<vmem>>
      %dma_start3A_71 = tpu.memref_squeeze %dma_start3A_70 : memref<1x125xi32, #tpu.memory_space<vmem>> -> memref<125xi32, #tpu.memory_space<vmem>>
      %dma_start3A_72 = arith.constant 0 : i32
      %dma_start3A_73 = arith.constant 0 : i32
      %dma_start3A_74 = tpu.memref_slice %arg2[%dma_start3A_72, %dma_start3A_73] : memref<10000x128xf32, #tpu.memory_space<hbm>> -> memref<10000x128xf32, #tpu.memory_space<hbm>>
      tpu.enqueue_indirect_dma source(%dma_start3A_74 : memref<10000x128xf32, #tpu.memory_space<hbm>>) target(%arg8 : memref<125x128xf32, #tpu.memory_space<vmem>>) offsets(%dma_start3A_71 : memref<125xi32, #tpu.memory_space<vmem>>) semaphore(%arg11 : memref<!tpu.dma_semaphore, #tpu.memory_space<semaphore_mem>>)
      %scan3A_75 = arith.constant 0 : i32
      %scan3A_76 = arith.constant 0 : i32
      %scan3A_77 = arith.constant 10 : i32
      %scan3A_78 = arith.addi %scan3A_76, %scan3A_77 : i32
      %scan3A_79 = arith.constant 1 : i32
      scf.for %scan3A_81 = %scan3A_76 to %scan3A_78 step %scan3A_79  : i32 {
        %mul3A_82 = arith.constant 2 : i32
        %mul3A_83 = arith.muli %mul3A_82, %scan3A_81 : i32
        %mul3A_84 = arith.constant 2 : i32
        %mul3A_85 = arith.muli %mul3A_84, %mul3A_83 : i32
        %add3A_86 = arith.constant 2 : i32
        %add3A_87 = arith.addi %mul3A_85, %add3A_86 : i32
        %dma_start3A_88 = arith.constant 0 : i32
        %dma_start3A_89 = tpu.memref_slice %arg7[%add3A_87, %dma_start3A_88] : memref<40x125xi32, #tpu.memory_space<vmem>> -> memref<1x125xi32, #tpu.memory_space<vmem>>
        %dma_start3A_90 = tpu.memref_squeeze %dma_start3A_89 : memref<1x125xi32, #tpu.memory_space<vmem>> -> memref<125xi32, #tpu.memory_space<vmem>>
        %dma_start3A_91 = arith.constant 0 : i32
        %dma_start3A_92 = arith.constant 0 : i32
        %dma_start3A_93 = tpu.memref_slice %arg2[%dma_start3A_91, %dma_start3A_92] : memref<10000x128xf32, #tpu.memory_space<hbm>> -> memref<10000x128xf32, #tpu.memory_space<hbm>>
        tpu.enqueue_indirect_dma source(%dma_start3A_93 : memref<10000x128xf32, #tpu.memory_space<hbm>>) target(%arg9 : memref<125x128xf32, #tpu.memory_space<vmem>>) offsets(%dma_start3A_90 : memref<125xi32, #tpu.memory_space<vmem>>) semaphore(%arg12 : memref<!tpu.dma_semaphore, #tpu.memory_space<semaphore_mem>>)
        %mul3A_94 = arith.constant 2 : i32
        %mul3A_95 = arith.muli %mul3A_94, %mul3A_83 : i32
        %dma_wait3A_96 = arith.constant 0 : i32
        %dma_wait3A_97 = tpu.memref_slice %arg7[%mul3A_95, %dma_wait3A_96] : memref<40x125xi32, #tpu.memory_space<vmem>> -> memref<1x125xi32, #tpu.memory_space<vmem>>
        %dma_wait3A_98 = tpu.memref_squeeze %dma_wait3A_97 : memref<1x125xi32, #tpu.memory_space<vmem>> -> memref<125xi32, #tpu.memory_space<vmem>>
        %dma_wait3A_99 = arith.constant 0 : i32
        %dma_wait3A_100 = arith.constant 0 : i32
        %dma_wait3A_101 = tpu.memref_slice %arg2[%dma_wait3A_99, %dma_wait3A_100] : memref<10000x128xf32, #tpu.memory_space<hbm>> -> memref<10000x128xf32, #tpu.memory_space<hbm>>
        tpu.wait_indirect_dma semaphore(%arg11 : memref<!tpu.dma_semaphore, #tpu.memory_space<semaphore_mem>>) src(%dma_wait3A_101 : memref<10000x128xf32, #tpu.memory_space<hbm>>) dst(%arg8 : memref<125x128xf32, #tpu.memory_space<vmem>>)
        %mul3A_102 = arith.constant 2 : i32
        %mul3A_103 = arith.muli %mul3A_102, %mul3A_83 : i32
        %add3A_104 = arith.constant 1 : i32
        %add3A_105 = arith.addi %mul3A_103, %add3A_104 : i32
        "tpu.region"() ({
          %run_scoped3A = tpu.sem_alloc : memref<!tpu.dma_semaphore, #tpu.memory_space<semaphore_mem>>
          %dma_start3A_127 = arith.constant 0 : i32
          %dma_start3A_128 = tpu.memref_slice %arg7[%add3A_105, %dma_start3A_127] : memref<40x125xi32, #tpu.memory_space<vmem>> -> memref<1x125xi32, #tpu.memory_space<vmem>>
          %dma_start3A_129 = tpu.memref_squeeze %dma_start3A_128 : memref<1x125xi32, #tpu.memory_space<vmem>> -> memref<125xi32, #tpu.memory_space<vmem>>
          %dma_start3A_130 = arith.constant 0 : i32
          %dma_start3A_131 = arith.constant 0 : i32
          %dma_start3A_132 = tpu.memref_slice %arg10[%dma_start3A_130, %dma_start3A_131] : memref<10240x128xf32, #tpu.memory_space<vmem_shared>> -> memref<10240x128xf32, #tpu.memory_space<vmem_shared>>
          tpu.enqueue_indirect_dma source(%arg8 : memref<125x128xf32, #tpu.memory_space<vmem>>) target(%dma_start3A_132 : memref<10240x128xf32, #tpu.memory_space<vmem_shared>>) offsets(%dma_start3A_129 : memref<125xi32, #tpu.memory_space<vmem>>) semaphore(%run_scoped3A : memref<!tpu.dma_semaphore, #tpu.memory_space<semaphore_mem>>) {add = true}
          %dma_wait3A_133 = arith.constant 0 : i32
          %dma_wait3A_134 = tpu.memref_slice %arg7[%add3A_105, %dma_wait3A_133] : memref<40x125xi32, #tpu.memory_space<vmem>> -> memref<1x125xi32, #tpu.memory_space<vmem>>
          %dma_wait3A_135 = tpu.memref_squeeze %dma_wait3A_134 : memref<1x125xi32, #tpu.memory_space<vmem>> -> memref<125xi32, #tpu.memory_space<vmem>>
          %dma_wait3A_136 = arith.constant 0 : i32
          %dma_wait3A_137 = arith.constant 0 : i32
          %dma_wait3A_138 = tpu.memref_slice %arg10[%dma_wait3A_136, %dma_wait3A_137] : memref<10240x128xf32, #tpu.memory_space<vmem_shared>> -> memref<10240x128xf32, #tpu.memory_space<vmem_shared>>
          tpu.wait_indirect_dma semaphore(%run_scoped3A : memref<!tpu.dma_semaphore, #tpu.memory_space<semaphore_mem>>) src(%arg8 : memref<125x128xf32, #tpu.memory_space<vmem>>) dst(%dma_wait3A_138 : memref<10240x128xf32, #tpu.memory_space<vmem_shared>>)
          tpu.yield
        }) : () -> ()
        %add3A_106 = arith.constant 2 : i32
        %add3A_107 = arith.addi %mul3A_83, %add3A_106 : i32
        %lt3A_108 = arith.constant 20 : i32
        %lt3A_109 = arith.cmpi slt, %add3A_107, %lt3A_108 : i32
        %convert_element_type3A_110 = arith.extui %lt3A_109 : i1 to i32
        %cond3A_111 = arith.constant 0 : i32
        %cond3A_112 = arith.cmpi ne, %convert_element_type3A_110, %cond3A_111 : i32
        scf.if %cond3A_112 {
          %mul3A_127 = arith.constant 2 : i32
          %mul3A_128 = arith.muli %mul3A_127, %mul3A_83 : i32
          %add3A_129 = arith.constant 4 : i32
          %add3A_130 = arith.addi %mul3A_128, %add3A_129 : i32
          %dma_start3A_131 = arith.constant 0 : i32
          %dma_start3A_132 = tpu.memref_slice %arg7[%add3A_130, %dma_start3A_131] : memref<40x125xi32, #tpu.memory_space<vmem>> -> memref<1x125xi32, #tpu.memory_space<vmem>>
          %dma_start3A_133 = tpu.memref_squeeze %dma_start3A_132 : memref<1x125xi32, #tpu.memory_space<vmem>> -> memref<125xi32, #tpu.memory_space<vmem>>
          %dma_start3A_134 = arith.constant 0 : i32
          %dma_start3A_135 = arith.constant 0 : i32
          %dma_start3A_136 = tpu.memref_slice %arg2[%dma_start3A_134, %dma_start3A_135] : memref<10000x128xf32, #tpu.memory_space<hbm>> -> memref<10000x128xf32, #tpu.memory_space<hbm>>
          tpu.enqueue_indirect_dma source(%dma_start3A_136 : memref<10000x128xf32, #tpu.memory_space<hbm>>) target(%arg8 : memref<125x128xf32, #tpu.memory_space<vmem>>) offsets(%dma_start3A_133 : memref<125xi32, #tpu.memory_space<vmem>>) semaphore(%arg11 : memref<!tpu.dma_semaphore, #tpu.memory_space<semaphore_mem>>)
        } else {
        }
        %mul3A_113 = arith.constant 2 : i32
        %mul3A_114 = arith.muli %mul3A_113, %mul3A_83 : i32
        %add3A_115 = arith.constant 2 : i32
        %add3A_116 = arith.addi %mul3A_114, %add3A_115 : i32
        %dma_wait3A_117 = arith.constant 0 : i32
        %dma_wait3A_118 = tpu.memref_slice %arg7[%add3A_116, %dma_wait3A_117] : memref<40x125xi32, #tpu.memory_space<vmem>> -> memref<1x125xi32, #tpu.memory_space<vmem>>
        %dma_wait3A_119 = tpu.memref_squeeze %dma_wait3A_118 : memref<1x125xi32, #tpu.memory_space<vmem>> -> memref<125xi32, #tpu.memory_space<vmem>>
        %dma_wait3A_120 = arith.constant 0 : i32
        %dma_wait3A_121 = arith.constant 0 : i32
        %dma_wait3A_122 = tpu.memref_slice %arg2[%dma_wait3A_120, %dma_wait3A_121] : memref<10000x128xf32, #tpu.memory_space<hbm>> -> memref<10000x128xf32, #tpu.memory_space<hbm>>
        tpu.wait_indirect_dma semaphore(%arg12 : memref<!tpu.dma_semaphore, #tpu.memory_space<semaphore_mem>>) src(%dma_wait3A_122 : memref<10000x128xf32, #tpu.memory_space<hbm>>) dst(%arg9 : memref<125x128xf32, #tpu.memory_space<vmem>>)
        %mul3A_123 = arith.constant 2 : i32
        %mul3A_124 = arith.muli %mul3A_123, %mul3A_83 : i32
        %add3A_125 = arith.constant 3 : i32
        %add3A_126 = arith.addi %mul3A_124, %add3A_125 : i32
        "tpu.region"() ({
          %run_scoped3A = tpu.sem_alloc : memref<!tpu.dma_semaphore, #tpu.memory_space<semaphore_mem>>
          %dma_start3A_127 = arith.constant 0 : i32
          %dma_start3A_128 = tpu.memref_slice %arg7[%add3A_126, %dma_start3A_127] : memref<40x125xi32, #tpu.memory_space<vmem>> -> memref<1x125xi32, #tpu.memory_space<vmem>>
          %dma_start3A_129 = tpu.memref_squeeze %dma_start3A_128 : memref<1x125xi32, #tpu.memory_space<vmem>> -> memref<125xi32, #tpu.memory_space<vmem>>
          %dma_start3A_130 = arith.constant 0 : i32
          %dma_start3A_131 = arith.constant 0 : i32
          %dma_start3A_132 = tpu.memref_slice %arg10[%dma_start3A_130, %dma_start3A_131] : memref<10240x128xf32, #tpu.memory_space<vmem_shared>> -> memref<10240x128xf32, #tpu.memory_space<vmem_shared>>
          tpu.enqueue_indirect_dma source(%arg9 : memref<125x128xf32, #tpu.memory_space<vmem>>) target(%dma_start3A_132 : memref<10240x128xf32, #tpu.memory_space<vmem_shared>>) offsets(%dma_start3A_129 : memref<125xi32, #tpu.memory_space<vmem>>) semaphore(%run_scoped3A : memref<!tpu.dma_semaphore, #tpu.memory_space<semaphore_mem>>) {add = true}
          %dma_wait3A_133 = arith.constant 0 : i32
          %dma_wait3A_134 = tpu.memref_slice %arg7[%add3A_126, %dma_wait3A_133] : memref<40x125xi32, #tpu.memory_space<vmem>> -> memref<1x125xi32, #tpu.memory_space<vmem>>
          %dma_wait3A_135 = tpu.memref_squeeze %dma_wait3A_134 : memref<1x125xi32, #tpu.memory_space<vmem>> -> memref<125xi32, #tpu.memory_space<vmem>>
          %dma_wait3A_136 = arith.constant 0 : i32
          %dma_wait3A_137 = arith.constant 0 : i32
          %dma_wait3A_138 = tpu.memref_slice %arg10[%dma_wait3A_136, %dma_wait3A_137] : memref<10240x128xf32, #tpu.memory_space<vmem_shared>> -> memref<10240x128xf32, #tpu.memory_space<vmem_shared>>
          tpu.wait_indirect_dma semaphore(%run_scoped3A : memref<!tpu.dma_semaphore, #tpu.memory_space<semaphore_mem>>) src(%arg9 : memref<125x128xf32, #tpu.memory_space<vmem>>) dst(%dma_wait3A_138 : memref<10240x128xf32, #tpu.memory_space<vmem_shared>>)
          tpu.yield
        }) : () -> ()
      }
      %scan3A_80 = arith.constant 10 : i32
    }
    %scan3A_15 = arith.constant 2 : i32
    %barrier3A_16 = arith.constant 0 : index
    tpu.barrier barrier_id(%barrier3A_16)
    %mul3A_17 = arith.constant 640 : i32
    %mul3A_18 = arith.muli %arg1, %mul3A_17 : i32
    %mul3A_19 = arith.constant 640 : i32
    %mul3A_20 = arith.muli %arg1, %mul3A_19 : i32
    "tpu.region"() ({
      %run_scoped3A = tpu.sem_alloc : memref<!tpu.dma_semaphore, #tpu.memory_space<semaphore_mem>>
      %dma_start3A_21 = arith.constant 0 : i32
      %dma_start3A_22 = tpu.memref_slice %arg5[%arg0, %mul3A_20, %dma_start3A_21] : memref<2x10240x128xf32, #tpu.memory_space<hbm>> -> memref<1x640x128xf32, #tpu.memory_space<hbm>>
      %dma_start3A_23 = tpu.memref_squeeze %dma_start3A_22 : memref<1x640x128xf32, #tpu.memory_space<hbm>> -> memref<640x128xf32, #tpu.memory_space<hbm>>
      %dma_start3A_24 = arith.constant 0 : i32
      %dma_start3A_25 = tpu.memref_slice %arg10[%mul3A_18, %dma_start3A_24] : memref<10240x128xf32, #tpu.memory_space<vmem_shared>> -> memref<640x128xf32, #tpu.memory_space<vmem_shared>>
      tpu.enqueue_dma source(%dma_start3A_25 : memref<640x128xf32, #tpu.memory_space<vmem_shared>>) target(%dma_start3A_23 : memref<640x128xf32, #tpu.memory_space<hbm>>) target_semaphore(%run_scoped3A : memref<!tpu.dma_semaphore, #tpu.memory_space<semaphore_mem>>)
      %dma_wait3A = arith.constant 0 : i32
      %dma_wait3A_26 = tpu.memref_slice %arg5[%arg0, %mul3A_20, %dma_wait3A] : memref<2x10240x128xf32, #tpu.memory_space<hbm>> -> memref<1x640x128xf32, #tpu.memory_space<hbm>>
      %dma_wait3A_27 = tpu.memref_squeeze %dma_wait3A_26 : memref<1x640x128xf32, #tpu.memory_space<hbm>> -> memref<640x128xf32, #tpu.memory_space<hbm>>
      %dma_wait3A_28 = arith.constant 0 : i32
      %dma_wait3A_29 = tpu.memref_slice %arg10[%mul3A_18, %dma_wait3A_28] : memref<10240x128xf32, #tpu.memory_space<vmem_shared>> -> memref<640x128xf32, #tpu.memory_space<vmem_shared>>
      tpu.wait_dma2 semaphore(%run_scoped3A : memref<!tpu.dma_semaphore, #tpu.memory_space<semaphore_mem>>) src(%dma_wait3A_29 : memref<640x128xf32, #tpu.memory_space<vmem_shared>>) dst(%dma_wait3A_27 : memref<640x128xf32, #tpu.memory_space<hbm>>)
      tpu.yield
    }) : () -> ()
    return
  }
}

module attributes {stable_mosaic.version = 14 : i64} {
  func.func @_prep_body(%arg0: i32, %arg1: memref<2x1000x16xf32, #tpu.memory_space<vmem>>, %arg2: memref<1000x128xf32, #tpu.memory_space<vmem>>, %arg3: memref<1000x128xf32, #tpu.memory_space<vmem>>) attributes {dimension_semantics = [#tpu.dimension_semantics<arbitrary>], iteration_bounds = array<i64: 10>, scalar_prefetch = 0 : i64, scratch_operands = 0 : i64, tpu.core_type = #tpu.core_type<tc>, window_params = [{transform_indices = @transform_0, window_bounds = array<i64: 2, 1000, 16>}, {transform_indices = @transform_1, window_bounds = array<i64: 1000, 128>}, {transform_indices = @transform_2, window_bounds = array<i64: 1000, 128>}]} {
    %get3A = arith.constant 0 : index
    %get3A_0 = arith.constant 0 : index
    %get3A_1 = arith.constant 0 : index
    %get3A_2 = vector.load %arg1[%get3A, %get3A_0, %get3A_1] : memref<2x1000x16xf32, #tpu.memory_space<vmem>>, vector<2x1000x16xf32>
    %slice3A = vector.extract_strided_slice %get3A_2 {offsets = [0, 0, 0], sizes = [1, 1000, 1], strides = [1, 1, 1]} : vector<2x1000x16xf32> to vector<1x1000x1xf32>
    %squeeze3A = vector.shape_cast %slice3A : vector<1x1000x1xf32> to vector<1000x1xf32>
    %add3A = arith.constant 1.000000e+00 : f32
    %add3A_3 = vector.broadcast %add3A : f32 to vector<1000x1xf32>
    %add3A_4 = arith.addf %add3A_3, %squeeze3A : vector<1000x1xf32>
    %slice3A_5 = vector.extract_strided_slice %get3A_2 {offsets = [1, 0, 0], sizes = [1, 1000, 1], strides = [1, 1, 1]} : vector<2x1000x16xf32> to vector<1x1000x1xf32>
    %squeeze3A_6 = vector.shape_cast %slice3A_5 : vector<1x1000x1xf32> to vector<1000x1xf32>
    %add3A_7 = arith.addf %add3A_4, %squeeze3A_6 : vector<1000x1xf32>
    %rsqrt3A = math.rsqrt %add3A_7 : vector<1000x1xf32>
    %get3A_8 = arith.constant 0 : index
    %get3A_9 = arith.constant 0 : index
    %get3A_10 = vector.load %arg2[%get3A_8, %get3A_9] : memref<1000x128xf32, #tpu.memory_space<vmem>>, vector<1000x128xf32>
    %mul3A = vector.broadcast %rsqrt3A : vector<1000x1xf32> to vector<1000x128xf32>
    %mul3A_11 = arith.mulf %mul3A, %get3A_10 : vector<1000x128xf32>
    %swap3A = arith.constant 0 : index
    %swap3A_12 = arith.constant 0 : index
    %swap3A_13 = vector.load %arg3[%swap3A, %swap3A_12] : memref<1000x128xf32, #tpu.memory_space<vmem>>, vector<1000x128xf32>
    tpu.vector_store %arg3[%swap3A, %swap3A_12], %mul3A_11 {strides = array<i32>} : memref<1000x128xf32, #tpu.memory_space<vmem>>, vector<1000x128xf32>,
    return
  }
  func.func @transform_0(%arg0: i32) -> (i32, i32, i32) {
    %c0_i32 = arith.constant 0 : i32
    %c0_i32_0 = arith.constant 0 : i32
    %c0_i32_1 = arith.constant 0 : i32
    return %c0_i32, %arg0, %c0_i32_0 : i32, i32, i32
  }
  func.func @transform_1(%arg0: i32) -> (i32, i32) {
    %c0_i32 = arith.constant 0 : i32
    %c0_i32_0 = arith.constant 0 : i32
    return %arg0, %c0_i32 : i32, i32
  }
  func.func @transform_2(%arg0: i32) -> (i32, i32) {
    %c0_i32 = arith.constant 0 : i32
    %c0_i32_0 = arith.constant 0 : i32
    return %arg0, %c0_i32 : i32, i32
  }
}

module attributes {stable_mosaic.version = 14 : i64} {
  func.func @_mid_body(%arg0: i32, %arg1: memref<2x1000x16xf32, #tpu.memory_space<vmem>>, %arg2: memref<2x1000x128xf32, #tpu.memory_space<vmem>>, %arg3: memref<1000x128xf32, #tpu.memory_space<vmem>>, %arg4: memref<1000x128xf32, #tpu.memory_space<vmem>>) attributes {dimension_semantics = [#tpu.dimension_semantics<arbitrary>], iteration_bounds = array<i64: 10>, scalar_prefetch = 0 : i64, scratch_operands = 0 : i64, tpu.core_type = #tpu.core_type<tc>, window_params = [{transform_indices = @transform_0, window_bounds = array<i64: 2, 1000, 16>}, {transform_indices = @transform_1, window_bounds = array<i64: 2, 1000, 128>}, {transform_indices = @transform_2, window_bounds = array<i64: 1000, 128>}, {transform_indices = @transform_3, window_bounds = array<i64: 1000, 128>}]} {
    %get3A = arith.constant 0 : index
    %get3A_0 = arith.constant 0 : index
    %get3A_1 = arith.constant 0 : index
    %get3A_2 = vector.load %arg1[%get3A, %get3A_0, %get3A_1] : memref<2x1000x16xf32, #tpu.memory_space<vmem>>, vector<2x1000x16xf32>
    %slice3A = vector.extract_strided_slice %get3A_2 {offsets = [0, 0, 0], sizes = [1, 1000, 1], strides = [1, 1, 1]} : vector<2x1000x16xf32> to vector<1x1000x1xf32>
    %squeeze3A = vector.shape_cast %slice3A : vector<1x1000x1xf32> to vector<1000x1xf32>
    %add3A = arith.constant 1.000000e+00 : f32
    %add3A_3 = vector.broadcast %add3A : f32 to vector<1000x1xf32>
    %add3A_4 = arith.addf %add3A_3, %squeeze3A : vector<1000x1xf32>
    %slice3A_5 = vector.extract_strided_slice %get3A_2 {offsets = [1, 0, 0], sizes = [1, 1000, 1], strides = [1, 1, 1]} : vector<2x1000x16xf32> to vector<1x1000x1xf32>
    %squeeze3A_6 = vector.shape_cast %slice3A_5 : vector<1x1000x1xf32> to vector<1000x1xf32>
    %add3A_7 = arith.addf %add3A_4, %squeeze3A_6 : vector<1000x1xf32>
    %get3A_8 = arith.constant 0 : index
    %get3A_9 = arith.constant 0 : index
    %get3A_10 = arith.constant 0 : index
    %get3A_11 = vector.load %arg2[%get3A_8, %get3A_9, %get3A_10] : memref<2x1000x128xf32, #tpu.memory_space<vmem>>, vector<2x1000x128xf32>
    %slice3A_12 = vector.extract_strided_slice %get3A_11 {offsets = [0, 0, 0], sizes = [1, 1000, 128], strides = [1, 1, 1]} : vector<2x1000x128xf32> to vector<1x1000x128xf32>
    %squeeze3A_13 = vector.shape_cast %slice3A_12 : vector<1x1000x128xf32> to vector<1000x128xf32>
    %slice3A_14 = vector.extract_strided_slice %get3A_11 {offsets = [1, 0, 0], sizes = [1, 1000, 128], strides = [1, 1, 1]} : vector<2x1000x128xf32> to vector<1x1000x128xf32>
    %squeeze3A_15 = vector.shape_cast %slice3A_14 : vector<1x1000x128xf32> to vector<1000x128xf32>
    %add3A_16 = arith.addf %squeeze3A_13, %squeeze3A_15 : vector<1000x128xf32>
    %get3A_17 = arith.constant 0 : index
    %get3A_18 = arith.constant 0 : index
    %get3A_19 = vector.load %arg3[%get3A_17, %get3A_18] : memref<1000x128xf32, #tpu.memory_space<vmem>>, vector<1000x128xf32>
    %add3A_20 = arith.addf %add3A_16, %get3A_19 : vector<1000x128xf32>
    %div3A = vector.broadcast %add3A_7 : vector<1000x1xf32> to vector<1000x128xf32>
    %div3A_21 = arith.divf %add3A_20, %div3A : vector<1000x128xf32>
    %swap3A = arith.constant 0 : index
    %swap3A_22 = arith.constant 0 : index
    %swap3A_23 = vector.load %arg4[%swap3A, %swap3A_22] : memref<1000x128xf32, #tpu.memory_space<vmem>>, vector<1000x128xf32>
    tpu.vector_store %arg4[%swap3A, %swap3A_22], %div3A_21 {strides = array<i32>} : memref<1000x128xf32, #tpu.memory_space<vmem>>, vector<1000x128xf32>,
    return
  }
  func.func @transform_0(%arg0: i32) -> (i32, i32, i32) {
    %c0_i32 = arith.constant 0 : i32
    %c0_i32_0 = arith.constant 0 : i32
    %c0_i32_1 = arith.constant 0 : i32
    return %c0_i32, %arg0, %c0_i32_0 : i32, i32, i32
  }
  func.func @transform_1(%arg0: i32) -> (i32, i32, i32) {
    %c0_i32 = arith.constant 0 : i32
    %c0_i32_0 = arith.constant 0 : i32
    %c0_i32_1 = arith.constant 0 : i32
    return %c0_i32, %arg0, %c0_i32_0 : i32, i32, i32
  }
  func.func @transform_2(%arg0: i32) -> (i32, i32) {
    %c0_i32 = arith.constant 0 : i32
    %c0_i32_0 = arith.constant 0 : i32
    return %arg0, %c0_i32 : i32, i32
  }
  func.func @transform_3(%arg0: i32) -> (i32, i32) {
    %c0_i32 = arith.constant 0 : i32
    %c0_i32_0 = arith.constant 0 : i32
    return %arg0, %c0_i32 : i32, i32
  }
}

module attributes {stable_mosaic.version = 14 : i64} {
  func.func @_fin_body(%arg0: i32, %arg1: memref<2x1000x16xf32, #tpu.memory_space<vmem>>, %arg2: memref<2x1000x128xf32, #tpu.memory_space<vmem>>, %arg3: memref<1000x128xf32, #tpu.memory_space<vmem>>, %arg4: memref<64x128xf32, #tpu.memory_space<vmem>>, %arg5: memref<1x64xf32, #tpu.memory_space<vmem>>, %arg6: memref<1000x64xf32, #tpu.memory_space<vmem>>) attributes {dimension_semantics = [#tpu.dimension_semantics<arbitrary>], iteration_bounds = array<i64: 10>, scalar_prefetch = 0 : i64, scratch_operands = 0 : i64, tpu.core_type = #tpu.core_type<tc>, window_params = [{transform_indices = @transform_0, window_bounds = array<i64: 2, 1000, 16>}, {transform_indices = @transform_1, window_bounds = array<i64: 2, 1000, 128>}, {transform_indices = @transform_2, window_bounds = array<i64: 1000, 128>}, {pipeline_mode = #tpu.pipeline_mode<synchronous>, transform_indices = @transform_3, window_bounds = array<i64: 64, 128>}, {pipeline_mode = #tpu.pipeline_mode<synchronous>, transform_indices = @transform_4, window_bounds = array<i64: 1, 64>}, {transform_indices = @transform_5, window_bounds = array<i64: 1000, 64>}]} {
    %get3A = arith.constant 0 : index
    %get3A_0 = arith.constant 0 : index
    %get3A_1 = arith.constant 0 : index
    %get3A_2 = vector.load %arg1[%get3A, %get3A_0, %get3A_1] : memref<2x1000x16xf32, #tpu.memory_space<vmem>>, vector<2x1000x16xf32>
    %slice3A = vector.extract_strided_slice %get3A_2 {offsets = [0, 0, 0], sizes = [1, 1000, 1], strides = [1, 1, 1]} : vector<2x1000x16xf32> to vector<1x1000x1xf32>
    %squeeze3A = vector.shape_cast %slice3A : vector<1x1000x1xf32> to vector<1000x1xf32>
    %add3A = arith.constant 1.000000e+00 : f32
    %add3A_3 = vector.broadcast %add3A : f32 to vector<1000x1xf32>
    %add3A_4 = arith.addf %add3A_3, %squeeze3A : vector<1000x1xf32>
    %slice3A_5 = vector.extract_strided_slice %get3A_2 {offsets = [1, 0, 0], sizes = [1, 1000, 1], strides = [1, 1, 1]} : vector<2x1000x16xf32> to vector<1x1000x1xf32>
    %squeeze3A_6 = vector.shape_cast %slice3A_5 : vector<1x1000x1xf32> to vector<1000x1xf32>
    %add3A_7 = arith.addf %add3A_4, %squeeze3A_6 : vector<1000x1xf32>
    %rsqrt3A = math.rsqrt %add3A_7 : vector<1000x1xf32>
    %get3A_8 = arith.constant 0 : index
    %get3A_9 = arith.constant 0 : index
    %get3A_10 = arith.constant 0 : index
    %get3A_11 = vector.load %arg2[%get3A_8, %get3A_9, %get3A_10] : memref<2x1000x128xf32, #tpu.memory_space<vmem>>, vector<2x1000x128xf32>
    %slice3A_12 = vector.extract_strided_slice %get3A_11 {offsets = [0, 0, 0], sizes = [1, 1000, 128], strides = [1, 1, 1]} : vector<2x1000x128xf32> to vector<1x1000x128xf32>
    %squeeze3A_13 = vector.shape_cast %slice3A_12 : vector<1x1000x128xf32> to vector<1000x128xf32>
    %slice3A_14 = vector.extract_strided_slice %get3A_11 {offsets = [1, 0, 0], sizes = [1, 1000, 128], strides = [1, 1, 1]} : vector<2x1000x128xf32> to vector<1x1000x128xf32>
    %squeeze3A_15 = vector.shape_cast %slice3A_14 : vector<1x1000x128xf32> to vector<1000x128xf32>
    %add3A_16 = arith.addf %squeeze3A_13, %squeeze3A_15 : vector<1000x128xf32>
    %get3A_17 = arith.constant 0 : index
    %get3A_18 = arith.constant 0 : index
    %get3A_19 = vector.load %arg3[%get3A_17, %get3A_18] : memref<1000x128xf32, #tpu.memory_space<vmem>>, vector<1000x128xf32>
    %add3A_20 = arith.addf %add3A_16, %get3A_19 : vector<1000x128xf32>
    %mul3A = vector.broadcast %rsqrt3A : vector<1000x1xf32> to vector<1000x128xf32>
    %mul3A_21 = arith.mulf %mul3A, %add3A_20 : vector<1000x128xf32>
    %get3A_22 = arith.constant 0 : index
    %get3A_23 = arith.constant 0 : index
    %get3A_24 = vector.load %arg4[%get3A_22, %get3A_23] : memref<64x128xf32, #tpu.memory_space<vmem>>, vector<64x128xf32>
    %dot_general3A = arith.constant dense<0.000000e+00> : vector<1000x64xf32>
    %dot_general3A_25 = tpu.matmul %mul3A_21, %get3A_24, %dot_general3A {dimension_numbers = #tpu.dot_dimension_numbers<[1], [1], [0], [0], [0, 0, 1, 0], [], []>, transpose_lhs_hint = false} : vector<1000x128xf32>, vector<64x128xf32>, vector<1000x64xf32> -> vector<1000x64xf32>
    %get3A_26 = arith.constant 0 : index
    %get3A_27 = arith.constant 0 : index
    %get3A_28 = vector.load %arg5[%get3A_26, %get3A_27] : memref<1x64xf32, #tpu.memory_space<vmem>>, vector<1x64xf32>
    %add3A_29 = vector.broadcast %get3A_28 : vector<1x64xf32> to vector<1000x64xf32>
    %add3A_30 = arith.addf %dot_general3A_25, %add3A_29 : vector<1000x64xf32>
    %reduce_max3A = arith.constant dense<0xFF800000> : vector<1000xf32>
    %reduce_max3A_31 = vector.multi_reduction <maximumf>, %add3A_30, %reduce_max3A [1] : vector<1000x64xf32> to vector<1000xf32>
    %broadcast_in_dim3A = vector.shape_cast %reduce_max3A_31 : vector<1000xf32> to vector<1000x1xf32>
    %sub3A = vector.broadcast %broadcast_in_dim3A : vector<1000x1xf32> to vector<1000x64xf32>
    %sub3A_32 = arith.subf %add3A_30, %sub3A : vector<1000x64xf32>
    %exp3A = math.exp %sub3A_32 : vector<1000x64xf32>
    %reduce_sum3A = arith.constant dense<0.000000e+00> : vector<1000xf32>
    %reduce_sum3A_33 = vector.multi_reduction <add>, %exp3A, %reduce_sum3A [1] : vector<1000x64xf32> to vector<1000xf32>
    %broadcast_in_dim3A_34 = vector.shape_cast %reduce_sum3A_33 : vector<1000xf32> to vector<1000x1xf32>
    %log3A = math.log %broadcast_in_dim3A_34 : vector<1000x1xf32>
    %add3A_35 = arith.addf %broadcast_in_dim3A, %log3A : vector<1000x1xf32>
    %sub3A_36 = vector.broadcast %add3A_35 : vector<1000x1xf32> to vector<1000x64xf32>
    %sub3A_37 = arith.subf %add3A_30, %sub3A_36 : vector<1000x64xf32>
    %swap3A = arith.constant 0 : index
    %swap3A_38 = arith.constant 0 : index
    %swap3A_39 = vector.load %arg6[%swap3A, %swap3A_38] : memref<1000x64xf32, #tpu.memory_space<vmem>>, vector<1000x64xf32>
    tpu.vector_store %arg6[%swap3A, %swap3A_38], %sub3A_37 {strides = array<i32>} : memref<1000x64xf32, #tpu.memory_space<vmem>>, vector<1000x64xf32>,
    return
  }
  func.func @transform_0(%arg0: i32) -> (i32, i32, i32) {
    %c0_i32 = arith.constant 0 : i32
    %c0_i32_0 = arith.constant 0 : i32
    %c0_i32_1 = arith.constant 0 : i32
    return %c0_i32, %arg0, %c0_i32_0 : i32, i32, i32
  }
  func.func @transform_1(%arg0: i32) -> (i32, i32, i32) {
    %c0_i32 = arith.constant 0 : i32
    %c0_i32_0 = arith.constant 0 : i32
    %c0_i32_1 = arith.constant 0 : i32
    return %c0_i32, %arg0, %c0_i32_0 : i32, i32, i32
  }
  func.func @transform_2(%arg0: i32) -> (i32, i32) {
    %c0_i32 = arith.constant 0 : i32
    %c0_i32_0 = arith.constant 0 : i32
    return %arg0, %c0_i32 : i32, i32
  }
  func.func @transform_3(%arg0: i32) -> (i32, i32) {
    %c0_i32 = arith.constant 0 : i32
    %c0_i32_0 = arith.constant 0 : i32
    %c0_i32_1 = arith.constant 0 : i32
    return %c0_i32, %c0_i32_0 : i32, i32
  }
  func.func @transform_4(%arg0: i32) -> (i32, i32) {
    %c0_i32 = arith.constant 0 : i32
    %c0_i32_0 = arith.constant 0 : i32
    %c0_i32_1 = arith.constant 0 : i32
    return %c0_i32, %c0_i32_0 : i32, i32
  }
  func.func @transform_5(%arg0: i32) -> (i32, i32) {
    %c0_i32 = arith.constant 0 : i32
    %c0_i32_0 = arith.constant 0 : i32
    return %arg0, %c0_i32 : i32, i32
  }
}

</mosaic_0001>

<sc_bundles>
// kernel: kernel.11.cloned.1.call-start
scs
__scs_entry_jumppad:
0x0: {  	(pc) =	sbr.rel $0x88, $3  }
0x1: {  	(tag) =	ssettag $0x0;
	lr =	simm.s32 $0x1  }
0x2: {  	[smem:$0x3F9D] =	sst lr;
	_ =	strace $0xD0000000  }
0x3: {  	_ = 	snop  }
0x4: {  	_ = 	snop  }
0x5: {  	_ = 	snop  }
0x6: {  	_ = 	snop  }
0x7: {  	_ = 	snop  }
__scs_overlays_trampoline_lowered:
0x8: {  	[smem:$0x3FAC] =	sst s0  }
0x9: {  	[smem:$0x3FAD] =	sst s1  }
0xa: {  	[smem:$0x3FAE] =	sst s2  }
0xb: {  	[smem:$0x3FAF] =	sst s3  }
0xc: {  	[smem:$0x3FB0] =	sst s4  }
0xd: {  	[smem:$0x3FB1] =	sst s5  }
0xe: {  	[smem:$0x3FB2] =	sst s6  }
0xf: {  	[smem:$0x3FB3] =	sst s7  }
0x10: {  	[smem:$0x3FB4] =	sst s8  }
0x11: {  	[smem:$0x3FB5] =	sst s9;
	s0 =	simm.s32 @!p0 $0x0  }
0x12: {  	s1 =	sld [smem:$0x3F9B];
	s0 =	simm.s32 @p0 $0x1  }
0x13: {  	[smem:$0x3FB6] =	sst s0;
	s0 =	simm.s32 @!p1 $0x0  }
0x14: {  	s2 =	sld [smem:$0x3F9A];
	s0 =	simm.s32 @p1 $0x1  }
0x15: {  	[smem:$0x3FB7] =	sst s0;
	s0 =	simm.s32 @!p2 $0x0  }
0x16: {  	s3 =	sld [smem:$0x3FDB];
	s0 =	simm.s32 @p2 $0x1  }
0x17: {  	s4 =	simm.s32 $0x1BF5;
	[smem:$0x3FB9] =	sst s0  }
0x18: {  	s0 =	sld [smem:$0x3F9C];
	_ =	swait.ge [sflag:s4], $0x0  }
0x19: {  	s7 =	sld [smem:$0x3F9D]  }
0x1a: {  	s8 =	sadd.s32 $0xFFFFE003, lr  }
0x1b: {  	s9 =	sadd.s32 $0xFFFFFEF7, lr;
	s5 =	simm.s32 $0xFFFFFFFF;
	p2 =	slt.u32 s8, $0xFFFFF086  }
0x1c: {  	p1 =	slt.u32 s9, $0xF7A;
	s5 =	simm.s32 @!p2 $0x0  }
0x1d: {  	s5 =	simm.s32 @p1 $0x1;
	p0 =	seq.s32 s7, s2  }
0x1e: {  	s7 =	smul.u32 @!p0 $0xF7A, s2;
	p2 =	seq.s32 @!p0 s5, $0x0  }
0x1f: {  	s9 =	smul.u32 $0xF7A, s1;
	s8 =	simm.s32 @!p0 $0x1BF5;
	p2 =	por !p2, p0  }
0x20: {  	[sflag:s8] =	ssyncset.s32 @!p0 $0xFFFFF086;
	s6 =	sadd.s32 @!p0 s3, s7;
	s7 =	simm.s32 @!p0 $0x108  }
0x21: {  	s3 =	sadd.s32 s3, s9;
	s6 =	sadd.s32 @!p0 $0x88, s6;
	s7 =	simm.s32 @p2 $0x1082  }
0x22: {  	[simem:s7], [sflag:s8] =	dma.local @!p0 [hbm:s6], $0xF7A  }
0x23: {  	s9 =	sor.u32 $0xD0000000, s2;
	s6 =	simm.s32 $0x108;
	_ =	swait.ge @!p0 [sflag:s8], $0x0  }
0x24: {  	s3 =	sadd.s32 $0x88, s3;
	s6 =	simm.s32 @!p1 $0x1082;
	[sflag:s4] =	ssyncset.s32 $0xFFFFF086  }
0x25: {  	[simem:s6], [sflag:s4] =	dma.local [hbm:s3], $0xF7A  }
0x26: {  	[smem:$0x3F9D] =	sst s1;
	(tag) =	ssettag s2;
	_ =	strace s9  }
0x27: {  	s1 =	sld [smem:$0x3FAD]  }
0x28: {  	s2 =	sld [smem:$0x3FAE]  }
0x29: {  	s4 =	sld [smem:$0x3FB0]  }
0x2a: {  	p0 =	seq.s32 s5, $0x0;
	s5 =	sld [smem:$0x3FB1]  }
0x2b: {  	s6 =	sld [smem:$0x3FB2]  }
0x2c: {  	s7 =	sld [smem:$0x3FB3]  }
0x2d: {  	s3 =	simm.s32 $0x108;
	s8 =	sld [smem:$0x3FB4]  }
0x2e: {  	s3 =	simm.s32 @!p0 $0x1082;
	s9 =	sld [smem:$0x3FB5]  }
0x2f: {  	lr =	sadd.s32 s0, s3;
	s0 =	sld [smem:$0x3FAC]  }
0x30: {  	s3 =	sld [smem:$0x3FAF]  }
0x31: {  	[smem:$0x3FB8] =	sst s10  }
0x32: {  	s10 =	sld [smem:$0x3FB6];
	_ =	sdelay $0x3  }
0x33: {  	p0 =	seq.s32 s10, $0x1;
	s10 =	sld [smem:$0x3FB8];
	_ =	sdelay $0x3  }
0x34: {  	[smem:$0x3FB8] =	sst s10  }
0x35: {  	s10 =	sld [smem:$0x3FB7];
	_ =	sdelay $0x3  }
0x36: {  	p1 =	seq.s32 s10, $0x1;
	s10 =	sld [smem:$0x3FB8];
	_ =	sdelay $0x3  }
0x37: {  	[smem:$0x3FB8] =	sst s10  }
0x38: {  	s10 =	sld [smem:$0x3FB9]  }
0x39: {  	_ = 	snop;
	(pc) =	sbr.ind lr, $3  }
0x3a: {  	_ = 	snop  }
0x3b: {  	_ = 	snop  }
0x3c: {  	p2 =	seq.s32 s10, $0x1;
	s10 =	sld [smem:$0x3FB8]  }
0x3d: {  	_ =	shalt  }
0x3e: {  	_ =	shalt  }
0x3f: {  	_ =	shalt  }
0x40: {  	_ =	shalt  }
0x41: {  	_ =	shalt  }
0x42: {  	_ =	shalt  }
0x43: {  	_ =	shalt  }
0x44: {  	_ =	shalt  }
0x45: {  	_ =	shalt  }
0x46: {  	_ =	shalt  }
0x47: {  	_ =	shalt  }
0x48: {  	_ =	shalt  }
0x49: {  	_ =	shalt  }
0x4a: {  	_ =	shalt  }
0x4b: {  	_ =	shalt  }
0x4c: {  	_ =	shalt  }
0x4d: {  	_ =	shalt  }
0x4e: {  	_ =	shalt  }
0x4f: {  	_ =	shalt  }
0x50: {  	_ =	shalt  }
0x51: {  	_ =	shalt  }
0x52: {  	_ =	shalt  }
0x53: {  	_ =	shalt  }
0x54: {  	_ =	shalt  }
0x55: {  	_ =	shalt  }
0x56: {  	_ =	shalt  }
0x57: {  	_ =	shalt  }
0x58: {  	_ =	shalt  }
0x59: {  	_ =	shalt  }
0x5a: {  	_ =	shalt  }
0x5b: {  	_ =	shalt  }
0x5c: {  	_ =	shalt  }
0x5d: {  	_ =	shalt  }
0x5e: {  	_ =	shalt  }
0x5f: {  	_ =	shalt  }
0x60: {  	_ =	shalt  }
0x61: {  	_ =	shalt  }
0x62: {  	_ =	shalt  }
0x63: {  	_ =	shalt  }
0x64: {  	_ =	shalt  }
0x65: {  	_ =	shalt  }
0x66: {  	_ =	shalt  }
0x67: {  	_ =	shalt  }
0x68: {  	_ =	shalt  }
0x69: {  	_ =	shalt  }
0x6a: {  	_ =	shalt  }
0x6b: {  	_ =	shalt  }
0x6c: {  	_ =	shalt  }
0x6d: {  	_ =	shalt  }
0x6e: {  	_ =	shalt  }
0x6f: {  	_ =	shalt  }
0x70: {  	_ =	shalt  }
0x71: {  	_ =	shalt  }
0x72: {  	_ =	shalt  }
0x73: {  	_ =	shalt  }
0x74: {  	_ =	shalt  }
0x75: {  	_ =	shalt  }
0x76: {  	_ =	shalt  }
0x77: {  	_ =	shalt  }
0x78: {  	_ =	shalt  }
0x79: {  	_ =	shalt  }
0x7a: {  	_ =	shalt  }
0x7b: {  	_ =	shalt  }
0x7c: {  	_ =	shalt  }
0x7d: {  	_ =	shalt  }
0x7e: {  	_ =	shalt  }
0x7f: {  	_ =	shalt  }
0x80: {  	_ =	shalt  }
0x81: {  	_ =	shalt  }
0x82: {  	_ =	shalt  }
0x83: {  	_ =	shalt  }
0x84: {  	_ =	shalt  }
0x85: {  	_ =	shalt  }
0x86: {  	_ =	shalt  }
0x87: {  	_ =	shalt  }
.Lfunc_end0:
.L_simem_size_0:
called_computation.1_lowered:
.L_overlay_start_0:
0x88: {  	s2 =	sld [smem:$0x3FD9]  }
0x89: {  	s3 =	sld [smem:$0x3FFE];
	_ =	sdelay $0x1  }
0x8a: {  	s1 =	srdreg.scid  }
0x8b: {  	s0 =	sand.u32 $0x1, s1  }
0x8c: {  	s17 =	sshll.u32 s0, $0xA;
	s2 =	sadd.s32 s3, s2  }
0x8d: {  	s2 =	sadd.s32 s2, s17  }
0x8e: {  	[smem:$0x3FC4] =	sst s2  }
0x8f: {  	_ = 	snop  }
0x90: {  	s2 =	sld [smem:$0x3FD0];
	(tm) =	ssettm $0x1  }
0x91: {  	s18 =	sld [smem:$0x3FFB];
	_ =	sdelay $0x3  }
0x92: {  	_ =	strace s18  }
0x93: {  	s3 =	sld [smem:$0x3FFC];
	_ =	sdelay $0x3  }
0x94: {  	_ =	strace s3  }
0x95: {  	s3 =	sld [smem:$0x3FFD];
	_ =	sdelay $0x3  }
0x96: {  	_ =	strace s3  }
0x97: {  	_ =	strace $0x8FFFFFFF  }
0x98: {  	s19 =	sld [smem:$0x3FDB];
	_ =	sdelay $0x1  }
0x99: {  	s4 =	simm.s32 $_scs_section_size  }
0x9a: {  	s5 =	simm.s32 $_size__tile_overlayer_lowered;
	s6 =	simm.s32 $_tile_overlayer_lowered  }
0x9b: {  	s22 =	simm.s32 $0x1BFF;
	s21 =	sshll.u32 s6, $0x1;
	s3 =	sadd.s32 s4, s19  }
0x9c: {  	s7 =	simm.s32 $0x0;
	s20 =	sshll.u32 s5, $0x1;
	s5 =	sadd.s32 s21, s3  }
0x9d: {  	[timem:s7], [sflag:s22] =	dma.local [hbm:s5], s20  }
0x9e: {  	_ =	swait.ge [sflag:s22], s20  }
0x9f: {  	s4 =	ssub.s32 $0x0, s20;
	[sflag:s22] =	ssyncset.done $0x0  }
0xa0: {  	[sflag:s22] =	ssyncadd.s32 s4;
	_ =	sdelay $0x1  }
0xa1: {  	s23 =	simm.s32 $0x1B8B  }
0xa2: {  	_ =	swait.ge [sflag:s23], $0x1  }
0xa3: {  	[sflag:s23] =	ssyncset.done $0x0  }
0xa4: {  	s25 =	simm.s32 $0x1B8E;
	s24 =	sld [smem:$0x3FFE];
	[sflag:s23] =	ssyncadd.s32 $0xFFFFFFFF  }
0xa5: {  	s26 =	simm.s32 $execute0_lowered;
	[smem:$0x3FD2] =	sst s25  }
0xa6: {  	s5 =	sshll.u32 s26, $0x1;
	_ =	strace $0x80000049;
	[dreg:$0x1] =	wrdreg $0xFFFFFFFF  }
0xa7: {  	s28 =	simm.s32 $_size_execute0_lowered;
	s3 =	sadd.s32 s3, s5;
	[dreg:$0x0] =	wrdreg $0x0  }
0xa8: {  	s5 =	sshll.u32 s28, $0x1;
	[dreg:$0x2] =	wrdreg s3  }
0xa9: {  	[dreg:$0x3] =	wrdreg s5  }
0xaa: {  	[dreg:$0x4] =	wrdreg $0xC0  }
0xab: {  	_ =	task [dreg:s7], $0x5FFFF  }
0xac: {  	[dreg:$0x1] =	wrdreg $0xFFFFFFFF  }
0xad: {  	[dreg:$0x0] =	wrdreg $0x60  }
0xae: {  	[dreg:$0x2] =	wrdreg s24  }
0xaf: {  	[dreg:$0x3] =	wrdreg s2  }
0xb0: {  	[dreg:$0x4] =	wrdreg $0xA8000  }
0xb1: {  	[dreg:$0x5] =	wrdreg $0x9  }
0xb2: {  	_ =	task.clear_ibuf [dreg:s7], $0x6FFFF;
	_ =	strace $0x90000049  }
0xb3: {  	s29 =	simm.s32 $0x9;
	_ =	strace $0x8000004B  }
0xb4: {  	_ =	swait.ge [sflag:s29], $0x1  }
0xb5: {  	[sflag:s29] =	ssyncadd.s32 $0xFFFFFFFF  }
0xb6: {  	_ =	strace $0x9000004B  }
0xb7: {  	_ =	sfence  }
0xb8: {  	s30 =	sld [smem:$0x0];
	_ =	sdelay $0x2  }
0xb9: {  	s31 =	sshll.u32 s1, $0xD;
	s1 =	sshrl.u32 s1, $0x2  }
0xba: {  	s3 =	sand.u32 $0x4000, s31;
	s1 =	sadd.s32 s1, s30  }
0xbb: {  	s0 =	sor.u32 s3, s0;
	s1 =	sshll.u32 s1, $0x11  }
0xbc: {  	s0 =	sor.u32 s1, s0  }
0xbd: {  	s0 =	sadd.s32 $0x8F2B, s0  }
0xbe: {  	[sflag:s0] =	ssyncadd.remote.s32 $0x1  }
0xbf: {  	_ =	sfence.sel $0xFFFF  }
0xc0: {  	[dreg:$0x0] =	wrdreg $0xFFFFFFFF;
	(pc) =	sbr.abs _section_cstart, $3  }
0xc1: {  	[dreg:$0x1] =	wrdreg $0xFFFFFFFF  }
0xc2: {  	_ =	task.clear_ibuf [dreg:s7], $0x2FFFF;
	_ =	strace $0x9FFFFFFF  }
0xc3: {  	(tm) =	ssettm $0x7FFFFFFF  }
tec
execute0_lowered:
.L_overlay_start_1:
0x0: {  	(tag) =	ssettag $0x1  }
0x1: {  	s0 =	rddreg [dreg:$0x0]  }
0x2: {  	s2 =	rddreg [dreg:$0x2]  }
0x3: {  	s1 =	srdreg.scid;
	s4 =	simm.s32 $0x0;
	s10 =	stileid.u32  }
0x4: {  	s14 =	simm.s32 $0x5;
	s15 =	simm.s32 $0x3;
	s16 =	simm.s32 $0x1400  }
0x5: {  	s17 =	simm.s32 $0x7D;
	s18 =	simm.s32 $0x2800;
	s20 =	simm.s32 $0x6800  }
0x6: {  	s28 =	simm.s32 $0x4;
	s29 =	simm.s32 $0x2280;
	s30 =	simm.s32 $0x2400  }
0x7: {  	s31 =	simm.s32 $0x2380;
	s11 =	simm.s32 $0x2580;
	s13 =	simm.s32 $0x2780  }
0x8: {  	s1 =	sand.u32 $0x1, s1;
	[smem:$0x7FF] =	sst s4;
	s6 =	smul.u32 $0x14000, s10  }
0x9: {  	s5 =	sadd.s32 $0x20600, s0;
	s9 =	smul.u32 $0x50000, s10;
	s23 =	sshll.u32 s10, $0x6  }
0xa: {  	s3 =	smul.u32 $0x140000, s1;
	s7 =	sshll.u32 s1, $0x4;
	_ =	strace $0x8000004A  }
0xb: {  	s1 =	ssub.s32 $0x2, s1;
	s12 =	sor.u32 $0x1C05, s23;
	s23 =	simm.s32 $0x2200  }
0xc: {  	s7 =	sor.u32 s10, s7;
	s8 =	sshrl.u32 s1, $0x1;
	s22 =	sshrl.u32 s9, $0x2  }
0xd: {  	[dreg:$0x5] =	wrdreg s12;
	s3 =	sadd.s32 s6, s3;
	s7 =	smul.u32 $0x5000, s7  }
0xe: {  	s6 =	sadd.s32 $0xC600, s0;
	s1 =	ssub.s32 s1, s8;
	s25 =	sadd.s32 s22, s2  }
0xf: {  	s22 =	simm.s32 $0x2080;
	s3 =	sshrl.u32 s3, $0x3;
	s26 =	smax.u32 s1, $0x1  }
0x10: {  	s8 =	sshrl.u32 s25, $0x3;
	s25 =	simm.s32 $0x2180;
	s1 =	simm.s32 $0x2600  }
0x11: {  	s0 =	sadd.s32 s3, s0;
	s21 =	sshrl.u32 s7, $0x3;
	[dreg:$0x7] =	wrdreg s26  }
0x12: {  	s9 =	sadd.s32 $0x1400, s7;
	[dreg:$0x8] =	wrdreg s8;
	s26 =	simm.s32 $0x2300  }
0x13: {  	s3 =	simm.s32 $0x2480;
	s24 =	sadd.s32 s6, s21;
	s0 =	sadd.s32 $0x47800, s0  }
0x14: {  	s21 =	simm.s32 $0x1;
	[dreg:$0x4] =	wrdreg s24;
	s10 =	sadd.s32 $0x500, s24  }
0x15: {  	[dreg:$0x6] =	wrdreg s0;
	s24 =	simm.s32 $0x2;
	s0 =	simm.s32 $0x0  }
.LBB2_1:
0x16: {  	[dreg:$0x9] =	wrdreg s0  }
0x17: {  	s0 =	rddreg [dreg:$0x4]  }
0x18: {  	s7 =	smov.u32 s12;
	s19 =	rddreg [dreg:$0x1]  }
0x19: {  	[tilespmem:s4], [sflag:$0x3] =	stream.linear.gather [hbm4b:s0+s4], $0x1400, $0x38;
	[tilespmem:$0x1E800] =	vst v63  }
0x1a: {  	[spmem:s8], [sflag:s7] =	dma.local [hbm:s19], $0x2800  }
0x1b: {  	_ =	swait.ge [sflag:s14], $0x2800  }
0x1c: {  	p0 =	por $0x1, $0x1;
	[sflag:s14] =	ssyncset.done $0x0  }
0x1d: {  	s12 =	simm.s32 $0x0;
	s0 =	simm.s32 $0x2500;
	[sflag:s14] =	ssyncadd.s32 $0xFFFFD800  }
0x1e: {  	s7 =	simm.s32 $0x2700;
	s8 =	simm.s32 $0x2680;
	[bflag:$0x0] =	sbarrier.arrive $0xFFFF  }
.LBB2_2:
0x1f: {  	_ =	swait.ge [sflag:s15], $0x1400;
	s12 =	sadd.s32 s12, s9  }
0x20: {  	[sflag:s15] =	ssyncset.done $0x0;
	s12 =	sshrl.u32 s12, $0x3  }
0x21: {  	[sflag:s15] =	ssyncadd.s32 $0xFFFFEC00;
	s12 =	sadd.s32 s6, s12  }
0x22: {  	[tilespmem:s16], [sflag:$0x4] =	stream.linear.gather [hbm4b:s12+s4], $0x1400, $0x38;
	[tilespmem:$0x1E800] =	vst v63  }
0x23: {  	_ = 	snop  }
0x24: {  	[tilespmem:s18], [sflag:$0x1] =	stream.indirect.gather [hbm4b:s5+s17], $0x80, s4, s17, $0xb8;
	[tilespmem:$0x1E800] =	vst v63  }
0x25: {  	s19 =	simm.s32 $0x100  }
0x26: {  	[tilespmem:s20], [sflag:$0x2] =	stream.indirect.gather [hbm4b:s5+s17], $0x80, s19, s17, $0xb8;
	[tilespmem:$0x1E800] =	vst v63  }
0x27: {  	_ =	swait.ge [sflag:s21], $0x3E80  }
0x28: {  	[sflag:s21] =	ssyncset.done $0x0  }
0x29: {  	s19 =	simm.s32 $0x80;
	[sflag:s21] =	ssyncadd.s32 $0xFFFFC180  }
0x2a: {  	[spmem:s2] =	stream.indirect.scatter.add.f32 [tilespmem:s18], [sflag:$0x5], $0x80, s19, s17, $0xb8;
	[tilespmem:$0x1E800] =	vst v63  }
0x2b: {  	_ =	swait.ge [sflag:s14], $0x3E80  }
0x2c: {  	[sflag:s14] =	ssyncset.done $0x0  }
0x2d: {  	s19 =	simm.s32 $0x200;
	[sflag:s14] =	ssyncadd.s32 $0xFFFFC180  }
0x2e: {  	[tilespmem:s18], [sflag:$0x1] =	stream.indirect.gather [hbm4b:s5+s17], $0x80, s19, s17, $0xb8;
	[tilespmem:$0x1E800] =	vst v63  }
0x2f: {  	_ =	swait.ge [sflag:s24], $0x3E80  }
0x30: {  	[sflag:s24] =	ssyncset.done $0x0  }
0x31: {  	s19 =	simm.s32 $0x180;
	[sflag:s24] =	ssyncadd.s32 $0xFFFFC180  }
0x32: {  	[spmem:s2] =	stream.indirect.scatter.add.f32 [tilespmem:s20], [sflag:$0x5], $0x80, s19, s17, $0xb8;
	[tilespmem:$0x1E800] =	vst v63  }
0x33: {  	_ =	swait.ge [sflag:s14], $0x3E80  }
0x34: {  	[sflag:s14] =	ssyncset.done $0x0  }
0x35: {  	s19 =	simm.s32 $0x300;
	[sflag:s14] =	ssyncadd.s32 $0xFFFFC180  }
0x36: {  	[tilespmem:s20], [sflag:$0x2] =	stream.indirect.gather [hbm4b:s5+s17], $0x80, s19, s17, $0xb8;
	[tilespmem:$0x1E800] =	vst v63  }
0x37: {  	_ =	swait.ge [sflag:s21], $0x3E80  }
0x38: {  	[sflag:s21] =	ssyncset.done $0x0  }
0x39: {  	s19 =	simm.s32 $0x280;
	[sflag:s21] =	ssyncadd.s32 $0xFFFFC180  }
0x3a: {  	[spmem:s2] =	stream.indirect.scatter.add.f32 [tilespmem:s18], [sflag:$0x5], $0x80, s19, s17, $0xb8;
	[tilespmem:$0x1E800] =	vst v63  }
0x3b: {  	_ =	swait.ge [sflag:s14], $0x3E80  }
0x3c: {  	[sflag:s14] =	ssyncset.done $0x0  }
0x3d: {  	s19 =	simm.s32 $0x400;
	[sflag:s14] =	ssyncadd.s32 $0xFFFFC180  }
0x3e: {  	[tilespmem:s18], [sflag:$0x1] =	stream.indirect.gather [hbm4b:s5+s17], $0x80, s19, s17, $0xb8;
	[tilespmem:$0x1E800] =	vst v63  }
0x3f: {  	_ =	swait.ge [sflag:s24], $0x3E80  }
0x40: {  	[sflag:s24] =	ssyncset.done $0x0  }
0x41: {  	s19 =	simm.s32 $0x380;
	[sflag:s24] =	ssyncadd.s32 $0xFFFFC180  }
0x42: {  	[spmem:s2] =	stream.indirect.scatter.add.f32 [tilespmem:s20], [sflag:$0x5], $0x80, s19, s17, $0xb8;
	[tilespmem:$0x1E800] =	vst v63  }
0x43: {  	_ =	swait.ge [sflag:s14], $0x3E80  }
0x44: {  	[sflag:s14] =	ssyncset.done $0x0  }
0x45: {  	s19 =	simm.s32 $0x500;
	[sflag:s14] =	ssyncadd.s32 $0xFFFFC180  }
0x46: {  	[tilespmem:s20], [sflag:$0x2] =	stream.indirect.gather [hbm4b:s5+s17], $0x80, s19, s17, $0xb8;
	[tilespmem:$0x1E800] =	vst v63  }
0x47: {  	_ =	swait.ge [sflag:s21], $0x3E80  }
0x48: {  	[sflag:s21] =	ssyncset.done $0x0  }
0x49: {  	s19 =	simm.s32 $0x480;
	[sflag:s21] =	ssyncadd.s32 $0xFFFFC180  }
0x4a: {  	[spmem:s2] =	stream.indirect.scatter.add.f32 [tilespmem:s18], [sflag:$0x5], $0x80, s19, s17, $0xb8;
	[tilespmem:$0x1E800] =	vst v63  }
0x4b: {  	_ =	swait.ge [sflag:s14], $0x3E80  }
0x4c: {  	[sflag:s14] =	ssyncset.done $0x0  }
0x4d: {  	s19 =	simm.s32 $0x600;
	[sflag:s14] =	ssyncadd.s32 $0xFFFFC180  }
0x4e: {  	[tilespmem:s18], [sflag:$0x1] =	stream.indirect.gather [hbm4b:s5+s17], $0x80, s19, s17, $0xb8;
	[tilespmem:$0x1E800] =	vst v63  }
0x4f: {  	_ =	swait.ge [sflag:s24], $0x3E80  }
0x50: {  	[sflag:s24] =	ssyncset.done $0x0  }
0x51: {  	s19 =	simm.s32 $0x580;
	[sflag:s24] =	ssyncadd.s32 $0xFFFFC180  }
0x52: {  	[spmem:s2] =	stream.indirect.scatter.add.f32 [tilespmem:s20], [sflag:$0x5], $0x80, s19, s17, $0xb8;
	[tilespmem:$0x1E800] =	vst v63  }
0x53: {  	_ =	swait.ge [sflag:s14], $0x3E80  }
0x54: {  	[sflag:s14] =	ssyncset.done $0x0  }
0x55: {  	s19 =	simm.s32 $0x700;
	[sflag:s14] =	ssyncadd.s32 $0xFFFFC180  }
0x56: {  	[tilespmem:s20], [sflag:$0x2] =	stream.indirect.gather [hbm4b:s5+s17], $0x80, s19, s17, $0xb8;
	[tilespmem:$0x1E800] =	vst v63  }
0x57: {  	_ =	swait.ge [sflag:s21], $0x3E80  }
0x58: {  	[sflag:s21] =	ssyncset.done $0x0  }
0x59: {  	s19 =	simm.s32 $0x680;
	[sflag:s21] =	ssyncadd.s32 $0xFFFFC180  }
0x5a: {  	[spmem:s2] =	stream.indirect.scatter.add.f32 [tilespmem:s18], [sflag:$0x5], $0x80, s19, s17, $0xb8;
	[tilespmem:$0x1E800] =	vst v63  }
0x5b: {  	_ =	swait.ge [sflag:s14], $0x3E80  }
0x5c: {  	[sflag:s14] =	ssyncset.done $0x0  }
0x5d: {  	s19 =	simm.s32 $0x800;
	[sflag:s14] =	ssyncadd.s32 $0xFFFFC180  }
0x5e: {  	[tilespmem:s18], [sflag:$0x1] =	stream.indirect.gather [hbm4b:s5+s17], $0x80, s19, s17, $0xb8;
	[tilespmem:$0x1E800] =	vst v63  }
0x5f: {  	_ =	swait.ge [sflag:s24], $0x3E80  }
0x60: {  	[sflag:s24] =	ssyncset.done $0x0  }
0x61: {  	s19 =	simm.s32 $0x780;
	[sflag:s24] =	ssyncadd.s32 $0xFFFFC180  }
0x62: {  	[spmem:s2] =	stream.indirect.scatter.add.f32 [tilespmem:s20], [sflag:$0x5], $0x80, s19, s17, $0xb8;
	[tilespmem:$0x1E800] =	vst v63  }
0x63: {  	_ =	swait.ge [sflag:s14], $0x3E80  }
0x64: {  	[sflag:s14] =	ssyncset.done $0x0  }
0x65: {  	s19 =	simm.s32 $0x900;
	[sflag:s14] =	ssyncadd.s32 $0xFFFFC180  }
0x66: {  	[tilespmem:s20], [sflag:$0x2] =	stream.indirect.gather [hbm4b:s5+s17], $0x80, s19, s17, $0xb8;
	[tilespmem:$0x1E800] =	vst v63  }
0x67: {  	_ =	swait.ge [sflag:s21], $0x3E80  }
0x68: {  	[sflag:s21] =	ssyncset.done $0x0  }
0x69: {  	s19 =	simm.s32 $0x880;
	[sflag:s21] =	ssyncadd.s32 $0xFFFFC180  }
0x6a: {  	[spmem:s2] =	stream.indirect.scatter.add.f32 [tilespmem:s18], [sflag:$0x5], $0x80, s19, s17, $0xb8;
	[tilespmem:$0x1E800] =	vst v63  }
0x6b: {  	_ =	swait.ge [sflag:s14], $0x3E80  }
0x6c: {  	[sflag:s14] =	ssyncset.done $0x0  }
0x6d: {  	s19 =	simm.s32 $0xA00;
	[sflag:s14] =	ssyncadd.s32 $0xFFFFC180  }
0x6e: {  	[tilespmem:s18], [sflag:$0x1] =	stream.indirect.gather [hbm4b:s5+s17], $0x80, s19, s17, $0xb8;
	[tilespmem:$0x1E800] =	vst v63  }
0x6f: {  	_ =	swait.ge [sflag:s24], $0x3E80  }
0x70: {  	[sflag:s24] =	ssyncset.done $0x0  }
0x71: {  	s19 =	simm.s32 $0x980;
	[sflag:s24] =	ssyncadd.s32 $0xFFFFC180  }
0x72: {  	[spmem:s2] =	stream.indirect.scatter.add.f32 [tilespmem:s20], [sflag:$0x5], $0x80, s19, s17, $0xb8;
	[tilespmem:$0x1E800] =	vst v63  }
0x73: {  	_ =	swait.ge [sflag:s14], $0x3E80  }
0x74: {  	[sflag:s14] =	ssyncset.done $0x0  }
0x75: {  	s19 =	simm.s32 $0xB00;
	[sflag:s14] =	ssyncadd.s32 $0xFFFFC180  }
0x76: {  	[tilespmem:s20], [sflag:$0x2] =	stream.indirect.gather [hbm4b:s5+s17], $0x80, s19, s17, $0xb8;
	[tilespmem:$0x1E800] =	vst v63  }
0x77: {  	_ =	swait.ge [sflag:s21], $0x3E80  }
0x78: {  	[sflag:s21] =	ssyncset.done $0x0  }
0x79: {  	s19 =	simm.s32 $0xA80;
	[sflag:s21] =	ssyncadd.s32 $0xFFFFC180  }
0x7a: {  	[spmem:s2] =	stream.indirect.scatter.add.f32 [tilespmem:s18], [sflag:$0x5], $0x80, s19, s17, $0xb8;
	[tilespmem:$0x1E800] =	vst v63  }
0x7b: {  	_ =	swait.ge [sflag:s14], $0x3E80  }
0x7c: {  	[sflag:s14] =	ssyncset.done $0x0  }
0x7d: {  	s19 =	simm.s32 $0xC00;
	[sflag:s14] =	ssyncadd.s32 $0xFFFFC180  }
0x7e: {  	[tilespmem:s18], [sflag:$0x1] =	stream.indirect.gather [hbm4b:s5+s17], $0x80, s19, s17, $0xb8;
	[tilespmem:$0x1E800] =	vst v63  }
0x7f: {  	_ =	swait.ge [sflag:s24], $0x3E80  }
0x80: {  	[sflag:s24] =	ssyncset.done $0x0  }
0x81: {  	s19 =	simm.s32 $0xB80;
	[sflag:s24] =	ssyncadd.s32 $0xFFFFC180  }
0x82: {  	[spmem:s2] =	stream.indirect.scatter.add.f32 [tilespmem:s20], [sflag:$0x5], $0x80, s19, s17, $0xb8;
	[tilespmem:$0x1E800] =	vst v63  }
0x83: {  	_ =	swait.ge [sflag:s14], $0x3E80  }
0x84: {  	[sflag:s14] =	ssyncset.done $0x0  }
0x85: {  	s19 =	simm.s32 $0xD00;
	[sflag:s14] =	ssyncadd.s32 $0xFFFFC180  }
0x86: {  	[tilespmem:s20], [sflag:$0x2] =	stream.indirect.gather [hbm4b:s5+s17], $0x80, s19, s17, $0xb8;
	[tilespmem:$0x1E800] =	vst v63  }
0x87: {  	_ =	swait.ge [sflag:s21], $0x3E80  }
0x88: {  	[sflag:s21] =	ssyncset.done $0x0  }
0x89: {  	s19 =	simm.s32 $0xC80;
	[sflag:s21] =	ssyncadd.s32 $0xFFFFC180  }
0x8a: {  	[spmem:s2] =	stream.indirect.scatter.add.f32 [tilespmem:s18], [sflag:$0x5], $0x80, s19, s17, $0xb8;
	[tilespmem:$0x1E800] =	vst v63  }
0x8b: {  	_ =	swait.ge [sflag:s14], $0x3E80  }
0x8c: {  	[sflag:s14] =	ssyncset.done $0x0  }
0x8d: {  	s19 =	simm.s32 $0xE00;
	[sflag:s14] =	ssyncadd.s32 $0xFFFFC180  }
0x8e: {  	[tilespmem:s18], [sflag:$0x1] =	stream.indirect.gather [hbm4b:s5+s17], $0x80, s19, s17, $0xb8;
	[tilespmem:$0x1E800] =	vst v63  }
0x8f: {  	_ =	swait.ge [sflag:s24], $0x3E80  }
0x90: {  	[sflag:s24] =	ssyncset.done $0x0  }
0x91: {  	s19 =	simm.s32 $0xD80;
	[sflag:s24] =	ssyncadd.s32 $0xFFFFC180  }
0x92: {  	[spmem:s2] =	stream.indirect.scatter.add.f32 [tilespmem:s20], [sflag:$0x5], $0x80, s19, s17, $0xb8;
	[tilespmem:$0x1E800] =	vst v63  }
0x93: {  	_ =	swait.ge [sflag:s14], $0x3E80  }
0x94: {  	[sflag:s14] =	ssyncset.done $0x0  }
0x95: {  	s19 =	simm.s32 $0xF00;
	[sflag:s14] =	ssyncadd.s32 $0xFFFFC180  }
0x96: {  	[tilespmem:s20], [sflag:$0x2] =	stream.indirect.gather [hbm4b:s5+s17], $0x80, s19, s17, $0xb8;
	[tilespmem:$0x1E800] =	vst v63  }
0x97: {  	_ =	swait.ge [sflag:s21], $0x3E80  }
0x98: {  	[sflag:s21] =	ssyncset.done $0x0  }
0x99: {  	s19 =	simm.s32 $0xE80;
	[sflag:s21] =	ssyncadd.s32 $0xFFFFC180  }
0x9a: {  	[spmem:s2] =	stream.indirect.scatter.add.f32 [tilespmem:s18], [sflag:$0x5], $0x80, s19, s17, $0xb8;
	[tilespmem:$0x1E800] =	vst v63  }
0x9b: {  	_ =	swait.ge [sflag:s14], $0x3E80  }
0x9c: {  	[sflag:s14] =	ssyncset.done $0x0  }
0x9d: {  	s19 =	simm.s32 $0x1000;
	[sflag:s14] =	ssyncadd.s32 $0xFFFFC180  }
0x9e: {  	[tilespmem:s18], [sflag:$0x1] =	stream.indirect.gather [hbm4b:s5+s17], $0x80, s19, s17, $0xb8;
	[tilespmem:$0x1E800] =	vst v63  }
0x9f: {  	_ =	swait.ge [sflag:s24], $0x3E80  }
0xa0: {  	[sflag:s24] =	ssyncset.done $0x0  }
0xa1: {  	s19 =	simm.s32 $0xF80;
	[sflag:s24] =	ssyncadd.s32 $0xFFFFC180  }
0xa2: {  	[spmem:s2] =	stream.indirect.scatter.add.f32 [tilespmem:s20], [sflag:$0x5], $0x80, s19, s17, $0xb8;
	[tilespmem:$0x1E800] =	vst v63  }
0xa3: {  	_ =	swait.ge [sflag:s14], $0x3E80  }
0xa4: {  	[sflag:s14] =	ssyncset.done $0x0  }
0xa5: {  	s19 =	simm.s32 $0x1100;
	[sflag:s14] =	ssyncadd.s32 $0xFFFFC180  }
0xa6: {  	[tilespmem:s20], [sflag:$0x2] =	stream.indirect.gather [hbm4b:s5+s17], $0x80, s19, s17, $0xb8;
	[tilespmem:$0x1E800] =	vst v63  }
0xa7: {  	_ =	swait.ge [sflag:s21], $0x3E80  }
0xa8: {  	[sflag:s21] =	ssyncset.done $0x0  }
0xa9: {  	s19 =	simm.s32 $0x1080;
	[sflag:s21] =	ssyncadd.s32 $0xFFFFC180  }
0xaa: {  	[spmem:s2] =	stream.indirect.scatter.add.f32 [tilespmem:s18], [sflag:$0x5], $0x80, s19, s17, $0xb8;
	[tilespmem:$0x1E800] =	vst v63  }
0xab: {  	_ =	swait.ge [sflag:s14], $0x3E80  }
0xac: {  	[sflag:s14] =	ssyncset.done $0x0  }
0xad: {  	s19 =	simm.s32 $0x1200;
	[sflag:s14] =	ssyncadd.s32 $0xFFFFC180  }
0xae: {  	[tilespmem:s18], [sflag:$0x1] =	stream.indirect.gather [hbm4b:s5+s17], $0x80, s19, s17, $0xb8;
	[tilespmem:$0x1E800] =	vst v63  }
0xaf: {  	_ =	swait.ge [sflag:s24], $0x3E80  }
0xb0: {  	[sflag:s24] =	ssyncset.done $0x0  }
0xb1: {  	s19 =	simm.s32 $0x1180;
	[sflag:s24] =	ssyncadd.s32 $0xFFFFC180  }
0xb2: {  	[spmem:s2] =	stream.indirect.scatter.add.f32 [tilespmem:s20], [sflag:$0x5], $0x80, s19, s17, $0xb8;
	[tilespmem:$0x1E800] =	vst v63  }
0xb3: {  	_ =	swait.ge [sflag:s14], $0x3E80  }
0xb4: {  	[sflag:s14] =	ssyncset.done $0x0  }
0xb5: {  	s19 =	simm.s32 $0x1300;
	[sflag:s14] =	ssyncadd.s32 $0xFFFFC180  }
0xb6: {  	[tilespmem:s20], [sflag:$0x2] =	stream.indirect.gather [hbm4b:s5+s17], $0x80, s19, s17, $0xb8;
	[tilespmem:$0x1E800] =	vst v63  }
0xb7: {  	_ =	swait.ge [sflag:s21], $0x3E80  }
0xb8: {  	[sflag:s21] =	ssyncset.done $0x0  }
0xb9: {  	s19 =	simm.s32 $0x1280;
	[sflag:s21] =	ssyncadd.s32 $0xFFFFC180  }
0xba: {  	[spmem:s2] =	stream.indirect.scatter.add.f32 [tilespmem:s18], [sflag:$0x5], $0x80, s19, s17, $0xb8;
	[tilespmem:$0x1E800] =	vst v63  }
0xbb: {  	_ =	swait.ge [sflag:s14], $0x3E80  }
0xbc: {  	[sflag:s14] =	ssyncset.done $0x0  }
0xbd: {  	[sflag:s14] =	ssyncadd.s32 $0xFFFFC180  }
0xbe: {  	_ =	swait.ge [sflag:s24], $0x3E80  }
0xbf: {  	[sflag:s24] =	ssyncset.done $0x0  }
0xc0: {  	s19 =	simm.s32 $0x1380;
	[sflag:s24] =	ssyncadd.s32 $0xFFFFC180  }
0xc1: {  	[spmem:s2] =	stream.indirect.scatter.add.f32 [tilespmem:s20], [sflag:$0x5], $0x80, s19, s17, $0xb8;
	[tilespmem:$0x1E800] =	vst v63  }
0xc2: {  	_ =	swait.ge [sflag:s14], $0x3E80  }
0xc3: {  	[sflag:s14] =	ssyncset.done $0x0  }
0xc4: {  	[sflag:s14] =	ssyncadd.s32 $0xFFFFC180  }
0xc5: {  	_ =	swait.ge [sflag:s28], $0x1400  }
0xc6: {  	[sflag:s28] =	ssyncset.done $0x0  }
0xc7: {  	s12 =	simm.s32 @p0 $0x0;
	[sflag:s28] =	ssyncadd.s32 $0xFFFFEC00  }
0xc8: {  	[tilespmem:s12], [sflag:$0x3] =	stream.linear.gather @p0 [hbm4b:s10+s12], $0x1400, $0x38;
	[tilespmem:$0x1E800] =	vst v63  }
0xc9: {  	s12 =	simm.s32 $0x2800  }
0xca: {  	[tilespmem:s12], [sflag:$0x1] =	stream.indirect.gather [hbm4b:s5+s17], $0x80, s16, s17, $0xb8;
	[tilespmem:$0x1E800] =	vst v63  }
0xcb: {  	s19 =	simm.s32 $0x1500  }
0xcc: {  	[tilespmem:s20], [sflag:$0x2] =	stream.indirect.gather [hbm4b:s5+s17], $0x80, s19, s17, $0xb8;
	[tilespmem:$0x1E800] =	vst v63  }
0xcd: {  	_ =	swait.ge [sflag:s21], $0x3E80  }
0xce: {  	[sflag:s21] =	ssyncset.done $0x0  }
0xcf: {  	s19 =	simm.s32 $0x1480;
	[sflag:s21] =	ssyncadd.s32 $0xFFFFC180  }
0xd0: {  	[spmem:s2] =	stream.indirect.scatter.add.f32 [tilespmem:s12], [sflag:$0x5], $0x80, s19, s17, $0xb8;
	[tilespmem:$0x1E800] =	vst v63  }
0xd1: {  	_ =	swait.ge [sflag:s14], $0x3E80  }
0xd2: {  	[sflag:s14] =	ssyncset.done $0x0  }
0xd3: {  	s19 =	simm.s32 $0x1600;
	[sflag:s14] =	ssyncadd.s32 $0xFFFFC180  }
0xd4: {  	[tilespmem:s12], [sflag:$0x1] =	stream.indirect.gather [hbm4b:s5+s17], $0x80, s19, s17, $0xb8;
	[tilespmem:$0x1E800] =	vst v63  }
0xd5: {  	_ =	swait.ge [sflag:s24], $0x3E80  }
0xd6: {  	[sflag:s24] =	ssyncset.done $0x0  }
0xd7: {  	s19 =	simm.s32 $0x1580;
	[sflag:s24] =	ssyncadd.s32 $0xFFFFC180  }
0xd8: {  	[spmem:s2] =	stream.indirect.scatter.add.f32 [tilespmem:s20], [sflag:$0x5], $0x80, s19, s17, $0xb8;
	[tilespmem:$0x1E800] =	vst v63  }
0xd9: {  	_ =	swait.ge [sflag:s14], $0x3E80  }
0xda: {  	[sflag:s14] =	ssyncset.done $0x0  }
0xdb: {  	s19 =	simm.s32 $0x1700;
	[sflag:s14] =	ssyncadd.s32 $0xFFFFC180  }
0xdc: {  	[tilespmem:s20], [sflag:$0x2] =	stream.indirect.gather [hbm4b:s5+s17], $0x80, s19, s17, $0xb8;
	[tilespmem:$0x1E800] =	vst v63  }
0xdd: {  	_ =	swait.ge [sflag:s21], $0x3E80  }
0xde: {  	[sflag:s21] =	ssyncset.done $0x0  }
0xdf: {  	s19 =	simm.s32 $0x1680;
	[sflag:s21] =	ssyncadd.s32 $0xFFFFC180  }
0xe0: {  	[spmem:s2] =	stream.indirect.scatter.add.f32 [tilespmem:s12], [sflag:$0x5], $0x80, s19, s17, $0xb8;
	[tilespmem:$0x1E800] =	vst v63  }
0xe1: {  	_ =	swait.ge [sflag:s14], $0x3E80  }
0xe2: {  	[sflag:s14] =	ssyncset.done $0x0  }
0xe3: {  	s19 =	simm.s32 $0x1800;
	[sflag:s14] =	ssyncadd.s32 $0xFFFFC180  }
0xe4: {  	[tilespmem:s12], [sflag:$0x1] =	stream.indirect.gather [hbm4b:s5+s17], $0x80, s19, s17, $0xb8;
	[tilespmem:$0x1E800] =	vst v63  }
0xe5: {  	_ =	swait.ge [sflag:s24], $0x3E80  }
0xe6: {  	[sflag:s24] =	ssyncset.done $0x0  }
0xe7: {  	s19 =	simm.s32 $0x1780;
	[sflag:s24] =	ssyncadd.s32 $0xFFFFC180  }
0xe8: {  	[spmem:s2] =	stream.indirect.scatter.add.f32 [tilespmem:s20], [sflag:$0x5], $0x80, s19, s17, $0xb8;
	[tilespmem:$0x1E800] =	vst v63  }
0xe9: {  	_ =	swait.ge [sflag:s14], $0x3E80  }
0xea: {  	[sflag:s14] =	ssyncset.done $0x0  }
0xeb: {  	s19 =	simm.s32 $0x1900;
	[sflag:s14] =	ssyncadd.s32 $0xFFFFC180  }
0xec: {  	[tilespmem:s20], [sflag:$0x2] =	stream.indirect.gather [hbm4b:s5+s17], $0x80, s19, s17, $0xb8;
	[tilespmem:$0x1E800] =	vst v63  }
0xed: {  	_ =	swait.ge [sflag:s21], $0x3E80  }
0xee: {  	[sflag:s21] =	ssyncset.done $0x0  }
0xef: {  	s19 =	simm.s32 $0x1880;
	[sflag:s21] =	ssyncadd.s32 $0xFFFFC180  }
0xf0: {  	[spmem:s2] =	stream.indirect.scatter.add.f32 [tilespmem:s12], [sflag:$0x5], $0x80, s19, s17, $0xb8;
	[tilespmem:$0x1E800] =	vst v63  }
0xf1: {  	_ =	swait.ge [sflag:s14], $0x3E80  }
0xf2: {  	[sflag:s14] =	ssyncset.done $0x0  }
0xf3: {  	s19 =	simm.s32 $0x1A00;
	[sflag:s14] =	ssyncadd.s32 $0xFFFFC180  }
0xf4: {  	[tilespmem:s12], [sflag:$0x1] =	stream.indirect.gather [hbm4b:s5+s17], $0x80, s19, s17, $0xb8;
	[tilespmem:$0x1E800] =	vst v63  }
0xf5: {  	_ =	swait.ge [sflag:s24], $0x3E80  }
0xf6: {  	[sflag:s24] =	ssyncset.done $0x0  }
0xf7: {  	s19 =	simm.s32 $0x1980;
	[sflag:s24] =	ssyncadd.s32 $0xFFFFC180  }
0xf8: {  	[spmem:s2] =	stream.indirect.scatter.add.f32 [tilespmem:s20], [sflag:$0x5], $0x80, s19, s17, $0xb8;
	[tilespmem:$0x1E800] =	vst v63  }
0xf9: {  	_ =	swait.ge [sflag:s14], $0x3E80  }
0xfa: {  	[sflag:s14] =	ssyncset.done $0x0  }
0xfb: {  	s19 =	simm.s32 $0x1B00;
	[sflag:s14] =	ssyncadd.s32 $0xFFFFC180  }
0xfc: {  	[tilespmem:s20], [sflag:$0x2] =	stream.indirect.gather [hbm4b:s5+s17], $0x80, s19, s17, $0xb8;
	[tilespmem:$0x1E800] =	vst v63  }
0xfd: {  	_ =	swait.ge [sflag:s21], $0x3E80  }
0xfe: {  	[sflag:s21] =	ssyncset.done $0x0  }
0xff: {  	s19 =	simm.s32 $0x1A80;
	[sflag:s21] =	ssyncadd.s32 $0xFFFFC180  }
0x100: {  	[spmem:s2] =	stream.indirect.scatter.add.f32 [tilespmem:s12], [sflag:$0x5], $0x80, s19, s17, $0xb8;
	[tilespmem:$0x1E800] =	vst v63  }
0x101: {  	_ =	swait.ge [sflag:s14], $0x3E80  }
0x102: {  	[sflag:s14] =	ssyncset.done $0x0  }
0x103: {  	s19 =	simm.s32 $0x1C00;
	[sflag:s14] =	ssyncadd.s32 $0xFFFFC180  }
0x104: {  	[tilespmem:s12], [sflag:$0x1] =	stream.indirect.gather [hbm4b:s5+s17], $0x80, s19, s17, $0xb8;
	[tilespmem:$0x1E800] =	vst v63  }
0x105: {  	_ =	swait.ge [sflag:s24], $0x3E80  }
0x106: {  	[sflag:s24] =	ssyncset.done $0x0  }
0x107: {  	s19 =	simm.s32 $0x1B80;
	[sflag:s24] =	ssyncadd.s32 $0xFFFFC180  }
0x108: {  	[spmem:s2] =	stream.indirect.scatter.add.f32 [tilespmem:s20], [sflag:$0x5], $0x80, s19, s17, $0xb8;
	[tilespmem:$0x1E800] =	vst v63  }
0x109: {  	_ =	swait.ge [sflag:s14], $0x3E80  }
0x10a: {  	[sflag:s14] =	ssyncset.done $0x0  }
0x10b: {  	s19 =	simm.s32 $0x1D00;
	[sflag:s14] =	ssyncadd.s32 $0xFFFFC180  }
0x10c: {  	[tilespmem:s20], [sflag:$0x2] =	stream.indirect.gather [hbm4b:s5+s17], $0x80, s19, s17, $0xb8;
	[tilespmem:$0x1E800] =	vst v63  }
0x10d: {  	_ =	swait.ge [sflag:s21], $0x3E80  }
0x10e: {  	[sflag:s21] =	ssyncset.done $0x0  }
0x10f: {  	s19 =	simm.s32 $0x1C80;
	[sflag:s21] =	ssyncadd.s32 $0xFFFFC180  }
0x110: {  	[spmem:s2] =	stream.indirect.scatter.add.f32 [tilespmem:s12], [sflag:$0x5], $0x80, s19, s17, $0xb8;
	[tilespmem:$0x1E800] =	vst v63  }
0x111: {  	_ =	swait.ge [sflag:s14], $0x3E80  }
0x112: {  	[sflag:s14] =	ssyncset.done $0x0  }
0x113: {  	s19 =	simm.s32 $0x1E00;
	[sflag:s14] =	ssyncadd.s32 $0xFFFFC180  }
0x114: {  	[tilespmem:s12], [sflag:$0x1] =	stream.indirect.gather [hbm4b:s5+s17], $0x80, s19, s17, $0xb8;
	[tilespmem:$0x1E800] =	vst v63  }
0x115: {  	_ =	swait.ge [sflag:s24], $0x3E80  }
0x116: {  	[sflag:s24] =	ssyncset.done $0x0  }
0x117: {  	s19 =	simm.s32 $0x1D80;
	[sflag:s24] =	ssyncadd.s32 $0xFFFFC180  }
0x118: {  	[spmem:s2] =	stream.indirect.scatter.add.f32 [tilespmem:s20], [sflag:$0x5], $0x80, s19, s17, $0xb8;
	[tilespmem:$0x1E800] =	vst v63  }
0x119: {  	_ =	swait.ge [sflag:s14], $0x3E80  }
0x11a: {  	[sflag:s14] =	ssyncset.done $0x0  }
0x11b: {  	s19 =	simm.s32 $0x1F00;
	[sflag:s14] =	ssyncadd.s32 $0xFFFFC180  }
0x11c: {  	[tilespmem:s20], [sflag:$0x2] =	stream.indirect.gather [hbm4b:s5+s17], $0x80, s19, s17, $0xb8;
	[tilespmem:$0x1E800] =	vst v63  }
0x11d: {  	_ =	swait.ge [sflag:s21], $0x3E80  }
0x11e: {  	[sflag:s21] =	ssyncset.done $0x0  }
0x11f: {  	s19 =	simm.s32 $0x1E80;
	[sflag:s21] =	ssyncadd.s32 $0xFFFFC180  }
0x120: {  	[spmem:s2] =	stream.indirect.scatter.add.f32 [tilespmem:s12], [sflag:$0x5], $0x80, s19, s17, $0xb8;
	[tilespmem:$0x1E800] =	vst v63  }
0x121: {  	_ =	swait.ge [sflag:s14], $0x3E80  }
0x122: {  	[sflag:s14] =	ssyncset.done $0x0  }
0x123: {  	s19 =	simm.s32 $0x2000;
	[sflag:s14] =	ssyncadd.s32 $0xFFFFC180  }
0x124: {  	[tilespmem:s12], [sflag:$0x1] =	stream.indirect.gather [hbm4b:s5+s17], $0x80, s19, s17, $0xb8;
	[tilespmem:$0x1E800] =	vst v63  }
0x125: {  	_ =	swait.ge [sflag:s24], $0x3E80  }
0x126: {  	[sflag:s24] =	ssyncset.done $0x0  }
0x127: {  	s19 =	simm.s32 $0x1F80;
	[sflag:s24] =	ssyncadd.s32 $0xFFFFC180  }
0x128: {  	[spmem:s2] =	stream.indirect.scatter.add.f32 [tilespmem:s20], [sflag:$0x5], $0x80, s19, s17, $0xb8;
	[tilespmem:$0x1E800] =	vst v63  }
0x129: {  	_ =	swait.ge [sflag:s14], $0x3E80  }
0x12a: {  	[sflag:s14] =	ssyncset.done $0x0  }
0x12b: {  	s19 =	simm.s32 $0x2100;
	[sflag:s14] =	ssyncadd.s32 $0xFFFFC180  }
0x12c: {  	[tilespmem:s20], [sflag:$0x2] =	stream.indirect.gather [hbm4b:s5+s17], $0x80, s19, s17, $0xb8;
	[tilespmem:$0x1E800] =	vst v63  }
0x12d: {  	_ =	swait.ge [sflag:s21], $0x3E80  }
0x12e: {  	[sflag:s21] =	ssyncset.done $0x0  }
0x12f: {  	[sflag:s21] =	ssyncadd.s32 $0xFFFFC180  }
0x130: {  	[spmem:s2] =	stream.indirect.scatter.add.f32 [tilespmem:s12], [sflag:$0x5], $0x80, s22, s17, $0xb8;
	[tilespmem:$0x1E800] =	vst v63  }
0x131: {  	_ =	swait.ge [sflag:s14], $0x3E80  }
0x132: {  	[sflag:s14] =	ssyncset.done $0x0  }
0x133: {  	[sflag:s14] =	ssyncadd.s32 $0xFFFFC180  }
0x134: {  	[tilespmem:s12], [sflag:$0x1] =	stream.indirect.gather [hbm4b:s5+s17], $0x80, s23, s17, $0xb8;
	[tilespmem:$0x1E800] =	vst v63  }
0x135: {  	_ =	swait.ge [sflag:s24], $0x3E80  }
0x136: {  	[sflag:s24] =	ssyncset.done $0x0  }
0x137: {  	[sflag:s24] =	ssyncadd.s32 $0xFFFFC180  }
0x138: {  	[spmem:s2] =	stream.indirect.scatter.add.f32 [tilespmem:s20], [sflag:$0x5], $0x80, s25, s17, $0xb8;
	[tilespmem:$0x1E800] =	vst v63  }
0x139: {  	_ =	swait.ge [sflag:s14], $0x3E80  }
0x13a: {  	[sflag:s14] =	ssyncset.done $0x0  }
0x13b: {  	[sflag:s14] =	ssyncadd.s32 $0xFFFFC180  }
0x13c: {  	[tilespmem:s20], [sflag:$0x2] =	stream.indirect.gather [hbm4b:s5+s17], $0x80, s26, s17, $0xb8;
	[tilespmem:$0x1E800] =	vst v63  }
0x13d: {  	_ =	swait.ge [sflag:s21], $0x3E80  }
0x13e: {  	[sflag:s21] =	ssyncset.done $0x0  }
0x13f: {  	[sflag:s21] =	ssyncadd.s32 $0xFFFFC180  }
0x140: {  	[spmem:s2] =	stream.indirect.scatter.add.f32 [tilespmem:s12], [sflag:$0x5], $0x80, s29, s17, $0xb8;
	[tilespmem:$0x1E800] =	vst v63  }
0x141: {  	_ =	swait.ge [sflag:s14], $0x3E80  }
0x142: {  	[sflag:s14] =	ssyncset.done $0x0  }
0x143: {  	[sflag:s14] =	ssyncadd.s32 $0xFFFFC180  }
0x144: {  	[tilespmem:s12], [sflag:$0x1] =	stream.indirect.gather [hbm4b:s5+s17], $0x80, s30, s17, $0xb8;
	[tilespmem:$0x1E800] =	vst v63  }
0x145: {  	_ =	swait.ge [sflag:s24], $0x3E80  }
0x146: {  	[sflag:s24] =	ssyncset.done $0x0  }
0x147: {  	[sflag:s24] =	ssyncadd.s32 $0xFFFFC180  }
0x148: {  	[spmem:s2] =	stream.indirect.scatter.add.f32 [tilespmem:s20], [sflag:$0x5], $0x80, s31, s17, $0xb8;
	[tilespmem:$0x1E800] =	vst v63  }
0x149: {  	_ =	swait.ge [sflag:s14], $0x3E80  }
0x14a: {  	[sflag:s14] =	ssyncset.done $0x0  }
0x14b: {  	[sflag:s14] =	ssyncadd.s32 $0xFFFFC180  }
0x14c: {  	[tilespmem:s20], [sflag:$0x2] =	stream.indirect.gather [hbm4b:s5+s17], $0x80, s0, s17, $0xb8;
	[tilespmem:$0x1E800] =	vst v63  }
0x14d: {  	_ =	swait.ge [sflag:s21], $0x3E80  }
0x14e: {  	[sflag:s21] =	ssyncset.done $0x0  }
0x14f: {  	[sflag:s21] =	ssyncadd.s32 $0xFFFFC180  }
0x150: {  	[spmem:s2] =	stream.indirect.scatter.add.f32 [tilespmem:s12], [sflag:$0x5], $0x80, s3, s17, $0xb8;
	[tilespmem:$0x1E800] =	vst v63  }
0x151: {  	_ =	swait.ge [sflag:s14], $0x3E80  }
0x152: {  	[sflag:s14] =	ssyncset.done $0x0  }
0x153: {  	[sflag:s14] =	ssyncadd.s32 $0xFFFFC180  }
0x154: {  	[tilespmem:s12], [sflag:$0x1] =	stream.indirect.gather [hbm4b:s5+s17], $0x80, s1, s17, $0xb8;
	[tilespmem:$0x1E800] =	vst v63  }
0x155: {  	_ =	swait.ge [sflag:s24], $0x3E80  }
0x156: {  	[sflag:s24] =	ssyncset.done $0x0  }
0x157: {  	[sflag:s24] =	ssyncadd.s32 $0xFFFFC180  }
0x158: {  	[spmem:s2] =	stream.indirect.scatter.add.f32 [tilespmem:s20], [sflag:$0x5], $0x80, s11, s17, $0xb8;
	[tilespmem:$0x1E800] =	vst v63  }
0x159: {  	_ =	swait.ge [sflag:s14], $0x3E80  }
0x15a: {  	[sflag:s14] =	ssyncset.done $0x0  }
0x15b: {  	[sflag:s14] =	ssyncadd.s32 $0xFFFFC180  }
0x15c: {  	[tilespmem:s20], [sflag:$0x2] =	stream.indirect.gather [hbm4b:s5+s17], $0x80, s7, s17, $0xb8;
	[tilespmem:$0x1E800] =	vst v63  }
0x15d: {  	_ =	swait.ge [sflag:s21], $0x3E80  }
0x15e: {  	[sflag:s21] =	ssyncset.done $0x0  }
0x15f: {  	[sflag:s21] =	ssyncadd.s32 $0xFFFFC180  }
0x160: {  	[spmem:s2] =	stream.indirect.scatter.add.f32 [tilespmem:s12], [sflag:$0x5], $0x80, s8, s17, $0xb8;
	[tilespmem:$0x1E800] =	vst v63  }
0x161: {  	_ =	swait.ge [sflag:s14], $0x3E80  }
0x162: {  	[sflag:s14] =	ssyncset.done $0x0  }
0x163: {  	[sflag:s14] =	ssyncadd.s32 $0xFFFFC180  }
0x164: {  	_ =	swait.ge [sflag:s24], $0x3E80  }
0x165: {  	p1 =	por p0, p0;
	[sflag:s24] =	ssyncset.done $0x0  }
.Ltmp0:
0x166: {  	[sflag:s24] =	ssyncadd.s32 $0xFFFFC180;
	(pc) =	sbr.rel @p1 .LBB2_2-.Ltmp0, $4  }
0x167: {  	[spmem:s2] =	stream.indirect.scatter.add.f32 [tilespmem:s20], [sflag:$0x5], $0x80, s13, s17, $0xb8;
	[tilespmem:$0x1E800] =	vst v63  }
0x168: {  	_ =	swait.ge [sflag:s14], $0x3E80  }
0x169: {  	[sflag:s14] =	ssyncset.done $0x0  }
0x16a: {  	p0 =	por $0x0, $0x0;
	[sflag:s14] =	ssyncadd.s32 $0xFFFFC180  }
0x16b: {  	[bflag:$0x0] =	sbarrier.arrive $0xFFFF  }
0x16c: {  	s12 =	rddreg [dreg:$0x5]  }
0x16d: {  	s7 =	rddreg [dreg:$0x6]  }
0x16e: {  	s8 =	rddreg [dreg:$0x8]  }
0x16f: {  	[hbm:s7], [sflag:s12] =	dma.local [spmem:s8], $0x2800  }
0x170: {  	_ =	swait.ge [sflag:s14], $0x2800  }
0x171: {  	s0 =	rddreg [dreg:$0x9]  }
0x172: {  	s19 =	rddreg [dreg:$0x7];
	s0 =	sadd.s32 $0x1, s0  }
0x173: {  	p0 =	sne.s32 s0, s19  }
.Ltmp1:
0x174: {  	_ = 	snop;
	(pc) =	sbr.rel @p0 .LBB2_1-.Ltmp1, $3  }
0x175: {  	_ =	sdelay $0x1  }
0x176: {  	[sflag:s14] =	ssyncset.done $0x0  }
0x177: {  	[sflag:s14] =	ssyncadd.s32 $0xFFFFD800  }
0x178: {  	_ =	sfence.sel $0x180000  }
0x179: {  	[bflag:$0x0] =	sbarrier.arrive $0xFFFF  }
0x17a: {  	_ =	strace $0x9000004A  }
0x17b: {  	s0 =	stileid.u32;
	[bflag:$0x2] =	sbarrier.arrive $0xFFFF  }
0x17c: {  	p0 =	sne.s32 s0, $0x0;
	s0 =	rddreg [dreg:$0x3]  }
0x17d: {  	s0 =	sadd.s32 @!p0 $0x100000, s0  }
0x17e: {  	[sflag:s0] =	ssyncadd.tile.s32 @!p0 $0x1;
	_ =	shalt  }
.Lfunc_end2:
_tile_overlayer_lowered:
.L_overlay_start_2:
0x17f: {  	(tag) =	ssettag $0x2  }
0x180: {  	s0 =	rddreg [dreg:$0x0];
	s2 =	stileid.u32  }
0x181: {  	s1 =	rddreg [dreg:$0x1];
	p0 =	sne.s32 s2, $0x0  }
0x182: {  	s3 =	rddreg [dreg:$0x2];
	[bflag:$0x3] =	sbarrier.arrive $0xFFFF;
	s2 =	simm.s32 @!p0 $0x1C05  }
0x183: {  	[timem:s3], [sflag:s2] =	dma.local @!p0 [hbm:s0], s1  }
0x184: {  	s0 =	simm.s32 @!p0 $0x5  }
0x185: {  	_ =	swait.ge @!p0 [sflag:s0], s1  }
0x186: {  	s1 =	ssub.s32 @!p0 $0x0, s1;
	[sflag:s0] =	ssyncset.done @!p0 $0x0  }
0x187: {  	[sflag:s0] =	ssyncadd.s32 @!p0 s1  }
0x188: {  	[bflag:$0x3] =	sbarrier.arrive $0xFFFF  }
0x189: {  	_ =	shalt  }

// kernel: kernel.14.cloned.1.call-start
scs
__scs_entry_jumppad:
0x0: {  	(pc) =	sbr.rel $0x88, $3  }
0x1: {  	(tag) =	ssettag $0x0;
	lr =	simm.s32 $0x1  }
0x2: {  	[smem:$0x3F9D] =	sst lr;
	_ =	strace $0xD0000000  }
0x3: {  	_ = 	snop  }
0x4: {  	_ = 	snop  }
0x5: {  	_ = 	snop  }
0x6: {  	_ = 	snop  }
0x7: {  	_ = 	snop  }
__scs_overlays_trampoline_lowered:
0x8: {  	[smem:$0x3FAC] =	sst s0  }
0x9: {  	[smem:$0x3FAD] =	sst s1  }
0xa: {  	[smem:$0x3FAE] =	sst s2  }
0xb: {  	[smem:$0x3FAF] =	sst s3  }
0xc: {  	[smem:$0x3FB0] =	sst s4  }
0xd: {  	[smem:$0x3FB1] =	sst s5  }
0xe: {  	[smem:$0x3FB2] =	sst s6  }
0xf: {  	[smem:$0x3FB3] =	sst s7  }
0x10: {  	[smem:$0x3FB4] =	sst s8  }
0x11: {  	[smem:$0x3FB5] =	sst s9;
	s0 =	simm.s32 @!p0 $0x0  }
0x12: {  	s1 =	sld [smem:$0x3F9B];
	s0 =	simm.s32 @p0 $0x1  }
0x13: {  	[smem:$0x3FB6] =	sst s0;
	s0 =	simm.s32 @!p1 $0x0  }
0x14: {  	s2 =	sld [smem:$0x3F9A];
	s0 =	simm.s32 @p1 $0x1  }
0x15: {  	[smem:$0x3FB7] =	sst s0;
	s0 =	simm.s32 @!p2 $0x0  }
0x16: {  	s3 =	sld [smem:$0x3FDB];
	s0 =	simm.s32 @p2 $0x1  }
0x17: {  	s4 =	simm.s32 $0x1BF5;
	[smem:$0x3FB9] =	sst s0  }
0x18: {  	s0 =	sld [smem:$0x3F9C];
	_ =	swait.ge [sflag:s4], $0x0  }
0x19: {  	s7 =	sld [smem:$0x3F9D]  }
0x1a: {  	s8 =	sadd.s32 $0xFFFFE003, lr  }
0x1b: {  	s9 =	sadd.s32 $0xFFFFFEF7, lr;
	s5 =	simm.s32 $0xFFFFFFFF;
	p2 =	slt.u32 s8, $0xFFFFF086  }
0x1c: {  	p1 =	slt.u32 s9, $0xF7A;
	s5 =	simm.s32 @!p2 $0x0  }
0x1d: {  	s5 =	simm.s32 @p1 $0x1;
	p0 =	seq.s32 s7, s2  }
0x1e: {  	s7 =	smul.u32 @!p0 $0xF7A, s2;
	p2 =	seq.s32 @!p0 s5, $0x0  }
0x1f: {  	s9 =	smul.u32 $0xF7A, s1;
	s8 =	simm.s32 @!p0 $0x1BF5;
	p2 =	por !p2, p0  }
0x20: {  	[sflag:s8] =	ssyncset.s32 @!p0 $0xFFFFF086;
	s6 =	sadd.s32 @!p0 s3, s7;
	s7 =	simm.s32 @!p0 $0x108  }
0x21: {  	s3 =	sadd.s32 s3, s9;
	s6 =	sadd.s32 @!p0 $0x88, s6;
	s7 =	simm.s32 @p2 $0x1082  }
0x22: {  	[simem:s7], [sflag:s8] =	dma.local @!p0 [hbm:s6], $0xF7A  }
0x23: {  	s9 =	sor.u32 $0xD0000000, s2;
	s6 =	simm.s32 $0x108;
	_ =	swait.ge @!p0 [sflag:s8], $0x0  }
0x24: {  	s3 =	sadd.s32 $0x88, s3;
	s6 =	simm.s32 @!p1 $0x1082;
	[sflag:s4] =	ssyncset.s32 $0xFFFFF086  }
0x25: {  	[simem:s6], [sflag:s4] =	dma.local [hbm:s3], $0xF7A  }
0x26: {  	[smem:$0x3F9D] =	sst s1;
	(tag) =	ssettag s2;
	_ =	strace s9  }
0x27: {  	s1 =	sld [smem:$0x3FAD]  }
0x28: {  	s2 =	sld [smem:$0x3FAE]  }
0x29: {  	s4 =	sld [smem:$0x3FB0]  }
0x2a: {  	p0 =	seq.s32 s5, $0x0;
	s5 =	sld [smem:$0x3FB1]  }
0x2b: {  	s6 =	sld [smem:$0x3FB2]  }
0x2c: {  	s7 =	sld [smem:$0x3FB3]  }
0x2d: {  	s3 =	simm.s32 $0x108;
	s8 =	sld [smem:$0x3FB4]  }
0x2e: {  	s3 =	simm.s32 @!p0 $0x1082;
	s9 =	sld [smem:$0x3FB5]  }
0x2f: {  	lr =	sadd.s32 s0, s3;
	s0 =	sld [smem:$0x3FAC]  }
0x30: {  	s3 =	sld [smem:$0x3FAF]  }
0x31: {  	[smem:$0x3FB8] =	sst s10  }
0x32: {  	s10 =	sld [smem:$0x3FB6];
	_ =	sdelay $0x3  }
0x33: {  	p0 =	seq.s32 s10, $0x1;
	s10 =	sld [smem:$0x3FB8];
	_ =	sdelay $0x3  }
0x34: {  	[smem:$0x3FB8] =	sst s10  }
0x35: {  	s10 =	sld [smem:$0x3FB7];
	_ =	sdelay $0x3  }
0x36: {  	p1 =	seq.s32 s10, $0x1;
	s10 =	sld [smem:$0x3FB8];
	_ =	sdelay $0x3  }
0x37: {  	[smem:$0x3FB8] =	sst s10  }
0x38: {  	s10 =	sld [smem:$0x3FB9]  }
0x39: {  	_ = 	snop;
	(pc) =	sbr.ind lr, $3  }
0x3a: {  	_ = 	snop  }
0x3b: {  	_ = 	snop  }
0x3c: {  	p2 =	seq.s32 s10, $0x1;
	s10 =	sld [smem:$0x3FB8]  }
0x3d: {  	_ =	shalt  }
0x3e: {  	_ =	shalt  }
0x3f: {  	_ =	shalt  }
0x40: {  	_ =	shalt  }
0x41: {  	_ =	shalt  }
0x42: {  	_ =	shalt  }
0x43: {  	_ =	shalt  }
0x44: {  	_ =	shalt  }
0x45: {  	_ =	shalt  }
0x46: {  	_ =	shalt  }
0x47: {  	_ =	shalt  }
0x48: {  	_ =	shalt  }
0x49: {  	_ =	shalt  }
0x4a: {  	_ =	shalt  }
0x4b: {  	_ =	shalt  }
0x4c: {  	_ =	shalt  }
0x4d: {  	_ =	shalt  }
0x4e: {  	_ =	shalt  }
0x4f: {  	_ =	shalt  }
0x50: {  	_ =	shalt  }
0x51: {  	_ =	shalt  }
0x52: {  	_ =	shalt  }
0x53: {  	_ =	shalt  }
0x54: {  	_ =	shalt  }
0x55: {  	_ =	shalt  }
0x56: {  	_ =	shalt  }
0x57: {  	_ =	shalt  }
0x58: {  	_ =	shalt  }
0x59: {  	_ =	shalt  }
0x5a: {  	_ =	shalt  }
0x5b: {  	_ =	shalt  }
0x5c: {  	_ =	shalt  }
0x5d: {  	_ =	shalt  }
0x5e: {  	_ =	shalt  }
0x5f: {  	_ =	shalt  }
0x60: {  	_ =	shalt  }
0x61: {  	_ =	shalt  }
0x62: {  	_ =	shalt  }
0x63: {  	_ =	shalt  }
0x64: {  	_ =	shalt  }
0x65: {  	_ =	shalt  }
0x66: {  	_ =	shalt  }
0x67: {  	_ =	shalt  }
0x68: {  	_ =	shalt  }
0x69: {  	_ =	shalt  }
0x6a: {  	_ =	shalt  }
0x6b: {  	_ =	shalt  }
0x6c: {  	_ =	shalt  }
0x6d: {  	_ =	shalt  }
0x6e: {  	_ =	shalt  }
0x6f: {  	_ =	shalt  }
0x70: {  	_ =	shalt  }
0x71: {  	_ =	shalt  }
0x72: {  	_ =	shalt  }
0x73: {  	_ =	shalt  }
0x74: {  	_ =	shalt  }
0x75: {  	_ =	shalt  }
0x76: {  	_ =	shalt  }
0x77: {  	_ =	shalt  }
0x78: {  	_ =	shalt  }
0x79: {  	_ =	shalt  }
0x7a: {  	_ =	shalt  }
0x7b: {  	_ =	shalt  }
0x7c: {  	_ =	shalt  }
0x7d: {  	_ =	shalt  }
0x7e: {  	_ =	shalt  }
0x7f: {  	_ =	shalt  }
0x80: {  	_ =	shalt  }
0x81: {  	_ =	shalt  }
0x82: {  	_ =	shalt  }
0x83: {  	_ =	shalt  }
0x84: {  	_ =	shalt  }
0x85: {  	_ =	shalt  }
0x86: {  	_ =	shalt  }
0x87: {  	_ =	shalt  }
.Lfunc_end0:
.L_simem_size_0:
called_computation.2_lowered:
.L_overlay_start_0:
0x88: {  	s2 =	sld [smem:$0x3FD9]  }
0x89: {  	s3 =	sld [smem:$0x3FFE];
	_ =	sdelay $0x1  }
0x8a: {  	s1 =	srdreg.scid  }
0x8b: {  	s0 =	sand.u32 $0x1, s1  }
0x8c: {  	s17 =	sshll.u32 s0, $0xA;
	s2 =	sadd.s32 s3, s2  }
0x8d: {  	s2 =	sadd.s32 s2, s17  }
0x8e: {  	[smem:$0x3FC4] =	sst s2  }
0x8f: {  	_ = 	snop  }
0x90: {  	s2 =	sld [smem:$0x3FD0];
	(tm) =	ssettm $0x1  }
0x91: {  	s18 =	sld [smem:$0x3FFB];
	_ =	sdelay $0x3  }
0x92: {  	_ =	strace s18  }
0x93: {  	s3 =	sld [smem:$0x3FFC];
	_ =	sdelay $0x3  }
0x94: {  	_ =	strace s3  }
0x95: {  	s3 =	sld [smem:$0x3FFD];
	_ =	sdelay $0x3  }
0x96: {  	_ =	strace s3  }
0x97: {  	_ =	strace $0x8FFFFFFF  }
0x98: {  	s19 =	sld [smem:$0x3FDB];
	_ =	sdelay $0x1  }
0x99: {  	s4 =	simm.s32 $_scs_section_size  }
0x9a: {  	s5 =	simm.s32 $_size__tile_overlayer_lowered;
	s6 =	simm.s32 $_tile_overlayer_lowered  }
0x9b: {  	s22 =	simm.s32 $0x1BFF;
	s21 =	sshll.u32 s6, $0x1;
	s3 =	sadd.s32 s4, s19  }
0x9c: {  	s7 =	simm.s32 $0x0;
	s20 =	sshll.u32 s5, $0x1;
	s5 =	sadd.s32 s21, s3  }
0x9d: {  	[timem:s7], [sflag:s22] =	dma.local [hbm:s5], s20  }
0x9e: {  	_ =	swait.ge [sflag:s22], s20  }
0x9f: {  	s4 =	ssub.s32 $0x0, s20;
	[sflag:s22] =	ssyncset.done $0x0  }
0xa0: {  	[sflag:s22] =	ssyncadd.s32 s4;
	_ =	sdelay $0x1  }
0xa1: {  	s23 =	simm.s32 $0x1B8B  }
0xa2: {  	_ =	swait.ge [sflag:s23], $0x1  }
0xa3: {  	[sflag:s23] =	ssyncset.done $0x0  }
0xa4: {  	s25 =	simm.s32 $0x1B8E;
	s24 =	sld [smem:$0x3FFE];
	[sflag:s23] =	ssyncadd.s32 $0xFFFFFFFF  }
0xa5: {  	s26 =	simm.s32 $execute0_lowered;
	[smem:$0x3FD2] =	sst s25  }
0xa6: {  	s5 =	sshll.u32 s26, $0x1;
	_ =	strace $0x8000004C;
	[dreg:$0x1] =	wrdreg $0xFFFFFFFF  }
0xa7: {  	s28 =	simm.s32 $_size_execute0_lowered;
	s3 =	sadd.s32 s3, s5;
	[dreg:$0x0] =	wrdreg $0x0  }
0xa8: {  	s5 =	sshll.u32 s28, $0x1;
	[dreg:$0x2] =	wrdreg s3  }
0xa9: {  	[dreg:$0x3] =	wrdreg s5  }
0xaa: {  	[dreg:$0x4] =	wrdreg $0xC0  }
0xab: {  	_ =	task [dreg:s7], $0x5FFFF  }
0xac: {  	[dreg:$0x1] =	wrdreg $0xFFFFFFFF  }
0xad: {  	[dreg:$0x0] =	wrdreg $0x60  }
0xae: {  	[dreg:$0x2] =	wrdreg s24  }
0xaf: {  	[dreg:$0x3] =	wrdreg s2  }
0xb0: {  	[dreg:$0x4] =	wrdreg $0xA8000  }
0xb1: {  	[dreg:$0x5] =	wrdreg $0x9  }
0xb2: {  	_ =	task.clear_ibuf [dreg:s7], $0x6FFFF;
	_ =	strace $0x9000004C  }
0xb3: {  	s29 =	simm.s32 $0x9;
	_ =	strace $0x8000004E  }
0xb4: {  	_ =	swait.ge [sflag:s29], $0x1  }
0xb5: {  	[sflag:s29] =	ssyncadd.s32 $0xFFFFFFFF  }
0xb6: {  	_ =	strace $0x9000004E  }
0xb7: {  	_ =	sfence  }
0xb8: {  	s30 =	sld [smem:$0x0];
	_ =	sdelay $0x2  }
0xb9: {  	s31 =	sshll.u32 s1, $0xD;
	s1 =	sshrl.u32 s1, $0x2  }
0xba: {  	s3 =	sand.u32 $0x4000, s31;
	s1 =	sadd.s32 s1, s30  }
0xbb: {  	s0 =	sor.u32 s3, s0;
	s1 =	sshll.u32 s1, $0x11  }
0xbc: {  	s0 =	sor.u32 s1, s0  }
0xbd: {  	s0 =	sadd.s32 $0x8F2B, s0  }
0xbe: {  	[sflag:s0] =	ssyncadd.remote.s32 $0x1  }
0xbf: {  	_ =	sfence.sel $0xFFFF  }
0xc0: {  	[dreg:$0x0] =	wrdreg $0xFFFFFFFF;
	(pc) =	sbr.abs _section_cstart, $3  }
0xc1: {  	[dreg:$0x1] =	wrdreg $0xFFFFFFFF  }
0xc2: {  	_ =	task.clear_ibuf [dreg:s7], $0x2FFFF;
	_ =	strace $0x9FFFFFFF  }
0xc3: {  	(tm) =	ssettm $0x7FFFFFFF  }
tec
execute0_lowered:
.L_overlay_start_1:
0x0: {  	(tag) =	ssettag $0x1  }
0x1: {  	s0 =	rddreg [dreg:$0x0]  }
0x2: {  	s2 =	rddreg [dreg:$0x2]  }
0x3: {  	s1 =	srdreg.scid;
	s4 =	simm.s32 $0x0;
	s10 =	stileid.u32  }
0x4: {  	s14 =	simm.s32 $0x5;
	s15 =	simm.s32 $0x3;
	s16 =	simm.s32 $0x1400  }
0x5: {  	s17 =	simm.s32 $0x7D;
	s18 =	simm.s32 $0x2800;
	s20 =	simm.s32 $0x6800  }
0x6: {  	s28 =	simm.s32 $0x4;
	s29 =	simm.s32 $0x2280;
	s30 =	simm.s32 $0x2400  }
0x7: {  	s31 =	simm.s32 $0x2380;
	s11 =	simm.s32 $0x2580;
	s13 =	simm.s32 $0x2780  }
0x8: {  	s1 =	sand.u32 $0x1, s1;
	[smem:$0x7FF] =	sst s4;
	s6 =	smul.u32 $0x14000, s10  }
0x9: {  	s5 =	sadd.s32 $0x20600, s0;
	s9 =	smul.u32 $0x50000, s10;
	s23 =	sshll.u32 s10, $0x6  }
0xa: {  	s3 =	smul.u32 $0x140000, s1;
	s7 =	sshll.u32 s1, $0x4;
	_ =	strace $0x8000004D  }
0xb: {  	s1 =	ssub.s32 $0x2, s1;
	s12 =	sor.u32 $0x1C05, s23;
	s23 =	simm.s32 $0x2200  }
0xc: {  	s7 =	sor.u32 s10, s7;
	s8 =	sshrl.u32 s1, $0x1;
	s22 =	sshrl.u32 s9, $0x2  }
0xd: {  	[dreg:$0x5] =	wrdreg s12;
	s3 =	sadd.s32 s6, s3;
	s7 =	smul.u32 $0x5000, s7  }
0xe: {  	s6 =	sadd.s32 $0xC600, s0;
	s1 =	ssub.s32 s1, s8;
	s25 =	sadd.s32 s22, s2  }
0xf: {  	s22 =	simm.s32 $0x2080;
	s3 =	sshrl.u32 s3, $0x3;
	s26 =	smax.u32 s1, $0x1  }
0x10: {  	s8 =	sshrl.u32 s25, $0x3;
	s25 =	simm.s32 $0x2180;
	s1 =	simm.s32 $0x2600  }
0x11: {  	s0 =	sadd.s32 s3, s0;
	s21 =	sshrl.u32 s7, $0x3;
	[dreg:$0x7] =	wrdreg s26  }
0x12: {  	s9 =	sadd.s32 $0x1400, s7;
	[dreg:$0x8] =	wrdreg s8;
	s26 =	simm.s32 $0x2300  }
0x13: {  	s3 =	simm.s32 $0x2480;
	s24 =	sadd.s32 s6, s21;
	s0 =	sadd.s32 $0x47800, s0  }
0x14: {  	s21 =	simm.s32 $0x1;
	[dreg:$0x4] =	wrdreg s24;
	s10 =	sadd.s32 $0x500, s24  }
0x15: {  	[dreg:$0x6] =	wrdreg s0;
	s24 =	simm.s32 $0x2;
	s0 =	simm.s32 $0x0  }
.LBB2_1:
0x16: {  	[dreg:$0x9] =	wrdreg s0  }
0x17: {  	s0 =	rddreg [dreg:$0x4]  }
0x18: {  	s7 =	smov.u32 s12;
	s19 =	rddreg [dreg:$0x1]  }
0x19: {  	[tilespmem:s4], [sflag:$0x3] =	stream.linear.gather [hbm4b:s0+s4], $0x1400, $0x38;
	[tilespmem:$0x1E800] =	vst v63  }
0x1a: {  	[spmem:s8], [sflag:s7] =	dma.local [hbm:s19], $0x2800  }
0x1b: {  	_ =	swait.ge [sflag:s14], $0x2800  }
0x1c: {  	p0 =	por $0x1, $0x1;
	[sflag:s14] =	ssyncset.done $0x0  }
0x1d: {  	s12 =	simm.s32 $0x0;
	s0 =	simm.s32 $0x2500;
	[sflag:s14] =	ssyncadd.s32 $0xFFFFD800  }
0x1e: {  	s7 =	simm.s32 $0x2700;
	s8 =	simm.s32 $0x2680;
	[bflag:$0x0] =	sbarrier.arrive $0xFFFF  }
.LBB2_2:
0x1f: {  	_ =	swait.ge [sflag:s15], $0x1400;
	s12 =	sadd.s32 s12, s9  }
0x20: {  	[sflag:s15] =	ssyncset.done $0x0;
	s12 =	sshrl.u32 s12, $0x3  }
0x21: {  	[sflag:s15] =	ssyncadd.s32 $0xFFFFEC00;
	s12 =	sadd.s32 s6, s12  }
0x22: {  	[tilespmem:s16], [sflag:$0x4] =	stream.linear.gather [hbm4b:s12+s4], $0x1400, $0x38;
	[tilespmem:$0x1E800] =	vst v63  }
0x23: {  	_ = 	snop  }
0x24: {  	[tilespmem:s18], [sflag:$0x1] =	stream.indirect.gather [hbm4b:s5+s17], $0x80, s4, s17, $0xb8;
	[tilespmem:$0x1E800] =	vst v63  }
0x25: {  	s19 =	simm.s32 $0x100  }
0x26: {  	[tilespmem:s20], [sflag:$0x2] =	stream.indirect.gather [hbm4b:s5+s17], $0x80, s19, s17, $0xb8;
	[tilespmem:$0x1E800] =	vst v63  }
0x27: {  	_ =	swait.ge [sflag:s21], $0x3E80  }
0x28: {  	[sflag:s21] =	ssyncset.done $0x0  }
0x29: {  	s19 =	simm.s32 $0x80;
	[sflag:s21] =	ssyncadd.s32 $0xFFFFC180  }
0x2a: {  	[spmem:s2] =	stream.indirect.scatter.add.f32 [tilespmem:s18], [sflag:$0x5], $0x80, s19, s17, $0xb8;
	[tilespmem:$0x1E800] =	vst v63  }
0x2b: {  	_ =	swait.ge [sflag:s14], $0x3E80  }
0x2c: {  	[sflag:s14] =	ssyncset.done $0x0  }
0x2d: {  	s19 =	simm.s32 $0x200;
	[sflag:s14] =	ssyncadd.s32 $0xFFFFC180  }
0x2e: {  	[tilespmem:s18], [sflag:$0x1] =	stream.indirect.gather [hbm4b:s5+s17], $0x80, s19, s17, $0xb8;
	[tilespmem:$0x1E800] =	vst v63  }
0x2f: {  	_ =	swait.ge [sflag:s24], $0x3E80  }
0x30: {  	[sflag:s24] =	ssyncset.done $0x0  }
0x31: {  	s19 =	simm.s32 $0x180;
	[sflag:s24] =	ssyncadd.s32 $0xFFFFC180  }
0x32: {  	[spmem:s2] =	stream.indirect.scatter.add.f32 [tilespmem:s20], [sflag:$0x5], $0x80, s19, s17, $0xb8;
	[tilespmem:$0x1E800] =	vst v63  }
0x33: {  	_ =	swait.ge [sflag:s14], $0x3E80  }
0x34: {  	[sflag:s14] =	ssyncset.done $0x0  }
0x35: {  	s19 =	simm.s32 $0x300;
	[sflag:s14] =	ssyncadd.s32 $0xFFFFC180  }
0x36: {  	[tilespmem:s20], [sflag:$0x2] =	stream.indirect.gather [hbm4b:s5+s17], $0x80, s19, s17, $0xb8;
	[tilespmem:$0x1E800] =	vst v63  }
0x37: {  	_ =	swait.ge [sflag:s21], $0x3E80  }
0x38: {  	[sflag:s21] =	ssyncset.done $0x0  }
0x39: {  	s19 =	simm.s32 $0x280;
	[sflag:s21] =	ssyncadd.s32 $0xFFFFC180  }
0x3a: {  	[spmem:s2] =	stream.indirect.scatter.add.f32 [tilespmem:s18], [sflag:$0x5], $0x80, s19, s17, $0xb8;
	[tilespmem:$0x1E800] =	vst v63  }
0x3b: {  	_ =	swait.ge [sflag:s14], $0x3E80  }
0x3c: {  	[sflag:s14] =	ssyncset.done $0x0  }
0x3d: {  	s19 =	simm.s32 $0x400;
	[sflag:s14] =	ssyncadd.s32 $0xFFFFC180  }
0x3e: {  	[tilespmem:s18], [sflag:$0x1] =	stream.indirect.gather [hbm4b:s5+s17], $0x80, s19, s17, $0xb8;
	[tilespmem:$0x1E800] =	vst v63  }
0x3f: {  	_ =	swait.ge [sflag:s24], $0x3E80  }
0x40: {  	[sflag:s24] =	ssyncset.done $0x0  }
0x41: {  	s19 =	simm.s32 $0x380;
	[sflag:s24] =	ssyncadd.s32 $0xFFFFC180  }
0x42: {  	[spmem:s2] =	stream.indirect.scatter.add.f32 [tilespmem:s20], [sflag:$0x5], $0x80, s19, s17, $0xb8;
	[tilespmem:$0x1E800] =	vst v63  }
0x43: {  	_ =	swait.ge [sflag:s14], $0x3E80  }
0x44: {  	[sflag:s14] =	ssyncset.done $0x0  }
0x45: {  	s19 =	simm.s32 $0x500;
	[sflag:s14] =	ssyncadd.s32 $0xFFFFC180  }
0x46: {  	[tilespmem:s20], [sflag:$0x2] =	stream.indirect.gather [hbm4b:s5+s17], $0x80, s19, s17, $0xb8;
	[tilespmem:$0x1E800] =	vst v63  }
0x47: {  	_ =	swait.ge [sflag:s21], $0x3E80  }
0x48: {  	[sflag:s21] =	ssyncset.done $0x0  }
0x49: {  	s19 =	simm.s32 $0x480;
	[sflag:s21] =	ssyncadd.s32 $0xFFFFC180  }
0x4a: {  	[spmem:s2] =	stream.indirect.scatter.add.f32 [tilespmem:s18], [sflag:$0x5], $0x80, s19, s17, $0xb8;
	[tilespmem:$0x1E800] =	vst v63  }
0x4b: {  	_ =	swait.ge [sflag:s14], $0x3E80  }
0x4c: {  	[sflag:s14] =	ssyncset.done $0x0  }
0x4d: {  	s19 =	simm.s32 $0x600;
	[sflag:s14] =	ssyncadd.s32 $0xFFFFC180  }
0x4e: {  	[tilespmem:s18], [sflag:$0x1] =	stream.indirect.gather [hbm4b:s5+s17], $0x80, s19, s17, $0xb8;
	[tilespmem:$0x1E800] =	vst v63  }
0x4f: {  	_ =	swait.ge [sflag:s24], $0x3E80  }
0x50: {  	[sflag:s24] =	ssyncset.done $0x0  }
0x51: {  	s19 =	simm.s32 $0x580;
	[sflag:s24] =	ssyncadd.s32 $0xFFFFC180  }
0x52: {  	[spmem:s2] =	stream.indirect.scatter.add.f32 [tilespmem:s20], [sflag:$0x5], $0x80, s19, s17, $0xb8;
	[tilespmem:$0x1E800] =	vst v63  }
0x53: {  	_ =	swait.ge [sflag:s14], $0x3E80  }
0x54: {  	[sflag:s14] =	ssyncset.done $0x0  }
0x55: {  	s19 =	simm.s32 $0x700;
	[sflag:s14] =	ssyncadd.s32 $0xFFFFC180  }
0x56: {  	[tilespmem:s20], [sflag:$0x2] =	stream.indirect.gather [hbm4b:s5+s17], $0x80, s19, s17, $0xb8;
	[tilespmem:$0x1E800] =	vst v63  }
0x57: {  	_ =	swait.ge [sflag:s21], $0x3E80  }
0x58: {  	[sflag:s21] =	ssyncset.done $0x0  }
0x59: {  	s19 =	simm.s32 $0x680;
	[sflag:s21] =	ssyncadd.s32 $0xFFFFC180  }
0x5a: {  	[spmem:s2] =	stream.indirect.scatter.add.f32 [tilespmem:s18], [sflag:$0x5], $0x80, s19, s17, $0xb8;
	[tilespmem:$0x1E800] =	vst v63  }
0x5b: {  	_ =	swait.ge [sflag:s14], $0x3E80  }
0x5c: {  	[sflag:s14] =	ssyncset.done $0x0  }
0x5d: {  	s19 =	simm.s32 $0x800;
	[sflag:s14] =	ssyncadd.s32 $0xFFFFC180  }
0x5e: {  	[tilespmem:s18], [sflag:$0x1] =	stream.indirect.gather [hbm4b:s5+s17], $0x80, s19, s17, $0xb8;
	[tilespmem:$0x1E800] =	vst v63  }
0x5f: {  	_ =	swait.ge [sflag:s24], $0x3E80  }
0x60: {  	[sflag:s24] =	ssyncset.done $0x0  }
0x61: {  	s19 =	simm.s32 $0x780;
	[sflag:s24] =	ssyncadd.s32 $0xFFFFC180  }
0x62: {  	[spmem:s2] =	stream.indirect.scatter.add.f32 [tilespmem:s20], [sflag:$0x5], $0x80, s19, s17, $0xb8;
	[tilespmem:$0x1E800] =	vst v63  }
0x63: {  	_ =	swait.ge [sflag:s14], $0x3E80  }
0x64: {  	[sflag:s14] =	ssyncset.done $0x0  }
0x65: {  	s19 =	simm.s32 $0x900;
	[sflag:s14] =	ssyncadd.s32 $0xFFFFC180  }
0x66: {  	[tilespmem:s20], [sflag:$0x2] =	stream.indirect.gather [hbm4b:s5+s17], $0x80, s19, s17, $0xb8;
	[tilespmem:$0x1E800] =	vst v63  }
0x67: {  	_ =	swait.ge [sflag:s21], $0x3E80  }
0x68: {  	[sflag:s21] =	ssyncset.done $0x0  }
0x69: {  	s19 =	simm.s32 $0x880;
	[sflag:s21] =	ssyncadd.s32 $0xFFFFC180  }
0x6a: {  	[spmem:s2] =	stream.indirect.scatter.add.f32 [tilespmem:s18], [sflag:$0x5], $0x80, s19, s17, $0xb8;
	[tilespmem:$0x1E800] =	vst v63  }
0x6b: {  	_ =	swait.ge [sflag:s14], $0x3E80  }
0x6c: {  	[sflag:s14] =	ssyncset.done $0x0  }
0x6d: {  	s19 =	simm.s32 $0xA00;
	[sflag:s14] =	ssyncadd.s32 $0xFFFFC180  }
0x6e: {  	[tilespmem:s18], [sflag:$0x1] =	stream.indirect.gather [hbm4b:s5+s17], $0x80, s19, s17, $0xb8;
	[tilespmem:$0x1E800] =	vst v63  }
0x6f: {  	_ =	swait.ge [sflag:s24], $0x3E80  }
0x70: {  	[sflag:s24] =	ssyncset.done $0x0  }
0x71: {  	s19 =	simm.s32 $0x980;
	[sflag:s24] =	ssyncadd.s32 $0xFFFFC180  }
0x72: {  	[spmem:s2] =	stream.indirect.scatter.add.f32 [tilespmem:s20], [sflag:$0x5], $0x80, s19, s17, $0xb8;
	[tilespmem:$0x1E800] =	vst v63  }
0x73: {  	_ =	swait.ge [sflag:s14], $0x3E80  }
0x74: {  	[sflag:s14] =	ssyncset.done $0x0  }
0x75: {  	s19 =	simm.s32 $0xB00;
	[sflag:s14] =	ssyncadd.s32 $0xFFFFC180  }
0x76: {  	[tilespmem:s20], [sflag:$0x2] =	stream.indirect.gather [hbm4b:s5+s17], $0x80, s19, s17, $0xb8;
	[tilespmem:$0x1E800] =	vst v63  }
0x77: {  	_ =	swait.ge [sflag:s21], $0x3E80  }
0x78: {  	[sflag:s21] =	ssyncset.done $0x0  }
0x79: {  	s19 =	simm.s32 $0xA80;
	[sflag:s21] =	ssyncadd.s32 $0xFFFFC180  }
0x7a: {  	[spmem:s2] =	stream.indirect.scatter.add.f32 [tilespmem:s18], [sflag:$0x5], $0x80, s19, s17, $0xb8;
	[tilespmem:$0x1E800] =	vst v63  }
0x7b: {  	_ =	swait.ge [sflag:s14], $0x3E80  }
0x7c: {  	[sflag:s14] =	ssyncset.done $0x0  }
0x7d: {  	s19 =	simm.s32 $0xC00;
	[sflag:s14] =	ssyncadd.s32 $0xFFFFC180  }
0x7e: {  	[tilespmem:s18], [sflag:$0x1] =	stream.indirect.gather [hbm4b:s5+s17], $0x80, s19, s17, $0xb8;
	[tilespmem:$0x1E800] =	vst v63  }
0x7f: {  	_ =	swait.ge [sflag:s24], $0x3E80  }
0x80: {  	[sflag:s24] =	ssyncset.done $0x0  }
0x81: {  	s19 =	simm.s32 $0xB80;
	[sflag:s24] =	ssyncadd.s32 $0xFFFFC180  }
0x82: {  	[spmem:s2] =	stream.indirect.scatter.add.f32 [tilespmem:s20], [sflag:$0x5], $0x80, s19, s17, $0xb8;
	[tilespmem:$0x1E800] =	vst v63  }
0x83: {  	_ =	swait.ge [sflag:s14], $0x3E80  }
0x84: {  	[sflag:s14] =	ssyncset.done $0x0  }
0x85: {  	s19 =	simm.s32 $0xD00;
	[sflag:s14] =	ssyncadd.s32 $0xFFFFC180  }
0x86: {  	[tilespmem:s20], [sflag:$0x2] =	stream.indirect.gather [hbm4b:s5+s17], $0x80, s19, s17, $0xb8;
	[tilespmem:$0x1E800] =	vst v63  }
0x87: {  	_ =	swait.ge [sflag:s21], $0x3E80  }
0x88: {  	[sflag:s21] =	ssyncset.done $0x0  }
0x89: {  	s19 =	simm.s32 $0xC80;
	[sflag:s21] =	ssyncadd.s32 $0xFFFFC180  }
0x8a: {  	[spmem:s2] =	stream.indirect.scatter.add.f32 [tilespmem:s18], [sflag:$0x5], $0x80, s19, s17, $0xb8;
	[tilespmem:$0x1E800] =	vst v63  }
0x8b: {  	_ =	swait.ge [sflag:s14], $0x3E80  }
0x8c: {  	[sflag:s14] =	ssyncset.done $0x0  }
0x8d: {  	s19 =	simm.s32 $0xE00;
	[sflag:s14] =	ssyncadd.s32 $0xFFFFC180  }
0x8e: {  	[tilespmem:s18], [sflag:$0x1] =	stream.indirect.gather [hbm4b:s5+s17], $0x80, s19, s17, $0xb8;
	[tilespmem:$0x1E800] =	vst v63  }
0x8f: {  	_ =	swait.ge [sflag:s24], $0x3E80  }
0x90: {  	[sflag:s24] =	ssyncset.done $0x0  }
0x91: {  	s19 =	simm.s32 $0xD80;
	[sflag:s24] =	ssyncadd.s32 $0xFFFFC180  }
0x92: {  	[spmem:s2] =	stream.indirect.scatter.add.f32 [tilespmem:s20], [sflag:$0x5], $0x80, s19, s17, $0xb8;
	[tilespmem:$0x1E800] =	vst v63  }
0x93: {  	_ =	swait.ge [sflag:s14], $0x3E80  }
0x94: {  	[sflag:s14] =	ssyncset.done $0x0  }
0x95: {  	s19 =	simm.s32 $0xF00;
	[sflag:s14] =	ssyncadd.s32 $0xFFFFC180  }
0x96: {  	[tilespmem:s20], [sflag:$0x2] =	stream.indirect.gather [hbm4b:s5+s17], $0x80, s19, s17, $0xb8;
	[tilespmem:$0x1E800] =	vst v63  }
0x97: {  	_ =	swait.ge [sflag:s21], $0x3E80  }
0x98: {  	[sflag:s21] =	ssyncset.done $0x0  }
0x99: {  	s19 =	simm.s32 $0xE80;
	[sflag:s21] =	ssyncadd.s32 $0xFFFFC180  }
0x9a: {  	[spmem:s2] =	stream.indirect.scatter.add.f32 [tilespmem:s18], [sflag:$0x5], $0x80, s19, s17, $0xb8;
	[tilespmem:$0x1E800] =	vst v63  }
0x9b: {  	_ =	swait.ge [sflag:s14], $0x3E80  }
0x9c: {  	[sflag:s14] =	ssyncset.done $0x0  }
0x9d: {  	s19 =	simm.s32 $0x1000;
	[sflag:s14] =	ssyncadd.s32 $0xFFFFC180  }
0x9e: {  	[tilespmem:s18], [sflag:$0x1] =	stream.indirect.gather [hbm4b:s5+s17], $0x80, s19, s17, $0xb8;
	[tilespmem:$0x1E800] =	vst v63  }
0x9f: {  	_ =	swait.ge [sflag:s24], $0x3E80  }
0xa0: {  	[sflag:s24] =	ssyncset.done $0x0  }
0xa1: {  	s19 =	simm.s32 $0xF80;
	[sflag:s24] =	ssyncadd.s32 $0xFFFFC180  }
0xa2: {  	[spmem:s2] =	stream.indirect.scatter.add.f32 [tilespmem:s20], [sflag:$0x5], $0x80, s19, s17, $0xb8;
	[tilespmem:$0x1E800] =	vst v63  }
0xa3: {  	_ =	swait.ge [sflag:s14], $0x3E80  }
0xa4: {  	[sflag:s14] =	ssyncset.done $0x0  }
0xa5: {  	s19 =	simm.s32 $0x1100;
	[sflag:s14] =	ssyncadd.s32 $0xFFFFC180  }
0xa6: {  	[tilespmem:s20], [sflag:$0x2] =	stream.indirect.gather [hbm4b:s5+s17], $0x80, s19, s17, $0xb8;
	[tilespmem:$0x1E800] =	vst v63  }
0xa7: {  	_ =	swait.ge [sflag:s21], $0x3E80  }
0xa8: {  	[sflag:s21] =	ssyncset.done $0x0  }
0xa9: {  	s19 =	simm.s32 $0x1080;
	[sflag:s21] =	ssyncadd.s32 $0xFFFFC180  }
0xaa: {  	[spmem:s2] =	stream.indirect.scatter.add.f32 [tilespmem:s18], [sflag:$0x5], $0x80, s19, s17, $0xb8;
	[tilespmem:$0x1E800] =	vst v63  }
0xab: {  	_ =	swait.ge [sflag:s14], $0x3E80  }
0xac: {  	[sflag:s14] =	ssyncset.done $0x0  }
0xad: {  	s19 =	simm.s32 $0x1200;
	[sflag:s14] =	ssyncadd.s32 $0xFFFFC180  }
0xae: {  	[tilespmem:s18], [sflag:$0x1] =	stream.indirect.gather [hbm4b:s5+s17], $0x80, s19, s17, $0xb8;
	[tilespmem:$0x1E800] =	vst v63  }
0xaf: {  	_ =	swait.ge [sflag:s24], $0x3E80  }
0xb0: {  	[sflag:s24] =	ssyncset.done $0x0  }
0xb1: {  	s19 =	simm.s32 $0x1180;
	[sflag:s24] =	ssyncadd.s32 $0xFFFFC180  }
0xb2: {  	[spmem:s2] =	stream.indirect.scatter.add.f32 [tilespmem:s20], [sflag:$0x5], $0x80, s19, s17, $0xb8;
	[tilespmem:$0x1E800] =	vst v63  }
0xb3: {  	_ =	swait.ge [sflag:s14], $0x3E80  }
0xb4: {  	[sflag:s14] =	ssyncset.done $0x0  }
0xb5: {  	s19 =	simm.s32 $0x1300;
	[sflag:s14] =	ssyncadd.s32 $0xFFFFC180  }
0xb6: {  	[tilespmem:s20], [sflag:$0x2] =	stream.indirect.gather [hbm4b:s5+s17], $0x80, s19, s17, $0xb8;
	[tilespmem:$0x1E800] =	vst v63  }
0xb7: {  	_ =	swait.ge [sflag:s21], $0x3E80  }
0xb8: {  	[sflag:s21] =	ssyncset.done $0x0  }
0xb9: {  	s19 =	simm.s32 $0x1280;
	[sflag:s21] =	ssyncadd.s32 $0xFFFFC180  }
0xba: {  	[spmem:s2] =	stream.indirect.scatter.add.f32 [tilespmem:s18], [sflag:$0x5], $0x80, s19, s17, $0xb8;
	[tilespmem:$0x1E800] =	vst v63  }
0xbb: {  	_ =	swait.ge [sflag:s14], $0x3E80  }
0xbc: {  	[sflag:s14] =	ssyncset.done $0x0  }
0xbd: {  	[sflag:s14] =	ssyncadd.s32 $0xFFFFC180  }
0xbe: {  	_ =	swait.ge [sflag:s24], $0x3E80  }
0xbf: {  	[sflag:s24] =	ssyncset.done $0x0  }
0xc0: {  	s19 =	simm.s32 $0x1380;
	[sflag:s24] =	ssyncadd.s32 $0xFFFFC180  }
0xc1: {  	[spmem:s2] =	stream.indirect.scatter.add.f32 [tilespmem:s20], [sflag:$0x5], $0x80, s19, s17, $0xb8;
	[tilespmem:$0x1E800] =	vst v63  }
0xc2: {  	_ =	swait.ge [sflag:s14], $0x3E80  }
0xc3: {  	[sflag:s14] =	ssyncset.done $0x0  }
0xc4: {  	[sflag:s14] =	ssyncadd.s32 $0xFFFFC180  }
0xc5: {  	_ =	swait.ge [sflag:s28], $0x1400  }
0xc6: {  	[sflag:s28] =	ssyncset.done $0x0  }
0xc7: {  	s12 =	simm.s32 @p0 $0x0;
	[sflag:s28] =	ssyncadd.s32 $0xFFFFEC00  }
0xc8: {  	[tilespmem:s12], [sflag:$0x3] =	stream.linear.gather @p0 [hbm4b:s10+s12], $0x1400, $0x38;
	[tilespmem:$0x1E800] =	vst v63  }
0xc9: {  	s12 =	simm.s32 $0x2800  }
0xca: {  	[tilespmem:s12], [sflag:$0x1] =	stream.indirect.gather [hbm4b:s5+s17], $0x80, s16, s17, $0xb8;
	[tilespmem:$0x1E800] =	vst v63  }
0xcb: {  	s19 =	simm.s32 $0x1500  }
0xcc: {  	[tilespmem:s20], [sflag:$0x2] =	stream.indirect.gather [hbm4b:s5+s17], $0x80, s19, s17, $0xb8;
	[tilespmem:$0x1E800] =	vst v63  }
0xcd: {  	_ =	swait.ge [sflag:s21], $0x3E80  }
0xce: {  	[sflag:s21] =	ssyncset.done $0x0  }
0xcf: {  	s19 =	simm.s32 $0x1480;
	[sflag:s21] =	ssyncadd.s32 $0xFFFFC180  }
0xd0: {  	[spmem:s2] =	stream.indirect.scatter.add.f32 [tilespmem:s12], [sflag:$0x5], $0x80, s19, s17, $0xb8;
	[tilespmem:$0x1E800] =	vst v63  }
0xd1: {  	_ =	swait.ge [sflag:s14], $0x3E80  }
0xd2: {  	[sflag:s14] =	ssyncset.done $0x0  }
0xd3: {  	s19 =	simm.s32 $0x1600;
	[sflag:s14] =	ssyncadd.s32 $0xFFFFC180  }
0xd4: {  	[tilespmem:s12], [sflag:$0x1] =	stream.indirect.gather [hbm4b:s5+s17], $0x80, s19, s17, $0xb8;
	[tilespmem:$0x1E800] =	vst v63  }
0xd5: {  	_ =	swait.ge [sflag:s24], $0x3E80  }
0xd6: {  	[sflag:s24] =	ssyncset.done $0x0  }
0xd7: {  	s19 =	simm.s32 $0x1580;
	[sflag:s24] =	ssyncadd.s32 $0xFFFFC180  }
0xd8: {  	[spmem:s2] =	stream.indirect.scatter.add.f32 [tilespmem:s20], [sflag:$0x5], $0x80, s19, s17, $0xb8;
	[tilespmem:$0x1E800] =	vst v63  }
0xd9: {  	_ =	swait.ge [sflag:s14], $0x3E80  }
0xda: {  	[sflag:s14] =	ssyncset.done $0x0  }
0xdb: {  	s19 =	simm.s32 $0x1700;
	[sflag:s14] =	ssyncadd.s32 $0xFFFFC180  }
0xdc: {  	[tilespmem:s20], [sflag:$0x2] =	stream.indirect.gather [hbm4b:s5+s17], $0x80, s19, s17, $0xb8;
	[tilespmem:$0x1E800] =	vst v63  }
0xdd: {  	_ =	swait.ge [sflag:s21], $0x3E80  }
0xde: {  	[sflag:s21] =	ssyncset.done $0x0  }
0xdf: {  	s19 =	simm.s32 $0x1680;
	[sflag:s21] =	ssyncadd.s32 $0xFFFFC180  }
0xe0: {  	[spmem:s2] =	stream.indirect.scatter.add.f32 [tilespmem:s12], [sflag:$0x5], $0x80, s19, s17, $0xb8;
	[tilespmem:$0x1E800] =	vst v63  }
0xe1: {  	_ =	swait.ge [sflag:s14], $0x3E80  }
0xe2: {  	[sflag:s14] =	ssyncset.done $0x0  }
0xe3: {  	s19 =	simm.s32 $0x1800;
	[sflag:s14] =	ssyncadd.s32 $0xFFFFC180  }
0xe4: {  	[tilespmem:s12], [sflag:$0x1] =	stream.indirect.gather [hbm4b:s5+s17], $0x80, s19, s17, $0xb8;
	[tilespmem:$0x1E800] =	vst v63  }
0xe5: {  	_ =	swait.ge [sflag:s24], $0x3E80  }
0xe6: {  	[sflag:s24] =	ssyncset.done $0x0  }
0xe7: {  	s19 =	simm.s32 $0x1780;
	[sflag:s24] =	ssyncadd.s32 $0xFFFFC180  }
0xe8: {  	[spmem:s2] =	stream.indirect.scatter.add.f32 [tilespmem:s20], [sflag:$0x5], $0x80, s19, s17, $0xb8;
	[tilespmem:$0x1E800] =	vst v63  }
0xe9: {  	_ =	swait.ge [sflag:s14], $0x3E80  }
0xea: {  	[sflag:s14] =	ssyncset.done $0x0  }
0xeb: {  	s19 =	simm.s32 $0x1900;
	[sflag:s14] =	ssyncadd.s32 $0xFFFFC180  }
0xec: {  	[tilespmem:s20], [sflag:$0x2] =	stream.indirect.gather [hbm4b:s5+s17], $0x80, s19, s17, $0xb8;
	[tilespmem:$0x1E800] =	vst v63  }
0xed: {  	_ =	swait.ge [sflag:s21], $0x3E80  }
0xee: {  	[sflag:s21] =	ssyncset.done $0x0  }
0xef: {  	s19 =	simm.s32 $0x1880;
	[sflag:s21] =	ssyncadd.s32 $0xFFFFC180  }
0xf0: {  	[spmem:s2] =	stream.indirect.scatter.add.f32 [tilespmem:s12], [sflag:$0x5], $0x80, s19, s17, $0xb8;
	[tilespmem:$0x1E800] =	vst v63  }
0xf1: {  	_ =	swait.ge [sflag:s14], $0x3E80  }
0xf2: {  	[sflag:s14] =	ssyncset.done $0x0  }
0xf3: {  	s19 =	simm.s32 $0x1A00;
	[sflag:s14] =	ssyncadd.s32 $0xFFFFC180  }
0xf4: {  	[tilespmem:s12], [sflag:$0x1] =	stream.indirect.gather [hbm4b:s5+s17], $0x80, s19, s17, $0xb8;
	[tilespmem:$0x1E800] =	vst v63  }
0xf5: {  	_ =	swait.ge [sflag:s24], $0x3E80  }
0xf6: {  	[sflag:s24] =	ssyncset.done $0x0  }
0xf7: {  	s19 =	simm.s32 $0x1980;
	[sflag:s24] =	ssyncadd.s32 $0xFFFFC180  }
0xf8: {  	[spmem:s2] =	stream.indirect.scatter.add.f32 [tilespmem:s20], [sflag:$0x5], $0x80, s19, s17, $0xb8;
	[tilespmem:$0x1E800] =	vst v63  }
0xf9: {  	_ =	swait.ge [sflag:s14], $0x3E80  }
0xfa: {  	[sflag:s14] =	ssyncset.done $0x0  }
0xfb: {  	s19 =	simm.s32 $0x1B00;
	[sflag:s14] =	ssyncadd.s32 $0xFFFFC180  }
0xfc: {  	[tilespmem:s20], [sflag:$0x2] =	stream.indirect.gather [hbm4b:s5+s17], $0x80, s19, s17, $0xb8;
	[tilespmem:$0x1E800] =	vst v63  }
0xfd: {  	_ =	swait.ge [sflag:s21], $0x3E80  }
0xfe: {  	[sflag:s21] =	ssyncset.done $0x0  }
0xff: {  	s19 =	simm.s32 $0x1A80;
	[sflag:s21] =	ssyncadd.s32 $0xFFFFC180  }
0x100: {  	[spmem:s2] =	stream.indirect.scatter.add.f32 [tilespmem:s12], [sflag:$0x5], $0x80, s19, s17, $0xb8;
	[tilespmem:$0x1E800] =	vst v63  }
0x101: {  	_ =	swait.ge [sflag:s14], $0x3E80  }
0x102: {  	[sflag:s14] =	ssyncset.done $0x0  }
0x103: {  	s19 =	simm.s32 $0x1C00;
	[sflag:s14] =	ssyncadd.s32 $0xFFFFC180  }
0x104: {  	[tilespmem:s12], [sflag:$0x1] =	stream.indirect.gather [hbm4b:s5+s17], $0x80, s19, s17, $0xb8;
	[tilespmem:$0x1E800] =	vst v63  }
0x105: {  	_ =	swait.ge [sflag:s24], $0x3E80  }
0x106: {  	[sflag:s24] =	ssyncset.done $0x0  }
0x107: {  	s19 =	simm.s32 $0x1B80;
	[sflag:s24] =	ssyncadd.s32 $0xFFFFC180  }
0x108: {  	[spmem:s2] =	stream.indirect.scatter.add.f32 [tilespmem:s20], [sflag:$0x5], $0x80, s19, s17, $0xb8;
	[tilespmem:$0x1E800] =	vst v63  }
0x109: {  	_ =	swait.ge [sflag:s14], $0x3E80  }
0x10a: {  	[sflag:s14] =	ssyncset.done $0x0  }
0x10b: {  	s19 =	simm.s32 $0x1D00;
	[sflag:s14] =	ssyncadd.s32 $0xFFFFC180  }
0x10c: {  	[tilespmem:s20], [sflag:$0x2] =	stream.indirect.gather [hbm4b:s5+s17], $0x80, s19, s17, $0xb8;
	[tilespmem:$0x1E800] =	vst v63  }
0x10d: {  	_ =	swait.ge [sflag:s21], $0x3E80  }
0x10e: {  	[sflag:s21] =	ssyncset.done $0x0  }
0x10f: {  	s19 =	simm.s32 $0x1C80;
	[sflag:s21] =	ssyncadd.s32 $0xFFFFC180  }
0x110: {  	[spmem:s2] =	stream.indirect.scatter.add.f32 [tilespmem:s12], [sflag:$0x5], $0x80, s19, s17, $0xb8;
	[tilespmem:$0x1E800] =	vst v63  }
0x111: {  	_ =	swait.ge [sflag:s14], $0x3E80  }
0x112: {  	[sflag:s14] =	ssyncset.done $0x0  }
0x113: {  	s19 =	simm.s32 $0x1E00;
	[sflag:s14] =	ssyncadd.s32 $0xFFFFC180  }
0x114: {  	[tilespmem:s12], [sflag:$0x1] =	stream.indirect.gather [hbm4b:s5+s17], $0x80, s19, s17, $0xb8;
	[tilespmem:$0x1E800] =	vst v63  }
0x115: {  	_ =	swait.ge [sflag:s24], $0x3E80  }
0x116: {  	[sflag:s24] =	ssyncset.done $0x0  }
0x117: {  	s19 =	simm.s32 $0x1D80;
	[sflag:s24] =	ssyncadd.s32 $0xFFFFC180  }
0x118: {  	[spmem:s2] =	stream.indirect.scatter.add.f32 [tilespmem:s20], [sflag:$0x5], $0x80, s19, s17, $0xb8;
	[tilespmem:$0x1E800] =	vst v63  }
0x119: {  	_ =	swait.ge [sflag:s14], $0x3E80  }
0x11a: {  	[sflag:s14] =	ssyncset.done $0x0  }
0x11b: {  	s19 =	simm.s32 $0x1F00;
	[sflag:s14] =	ssyncadd.s32 $0xFFFFC180  }
0x11c: {  	[tilespmem:s20], [sflag:$0x2] =	stream.indirect.gather [hbm4b:s5+s17], $0x80, s19, s17, $0xb8;
	[tilespmem:$0x1E800] =	vst v63  }
0x11d: {  	_ =	swait.ge [sflag:s21], $0x3E80  }
0x11e: {  	[sflag:s21] =	ssyncset.done $0x0  }
0x11f: {  	s19 =	simm.s32 $0x1E80;
	[sflag:s21] =	ssyncadd.s32 $0xFFFFC180  }
0x120: {  	[spmem:s2] =	stream.indirect.scatter.add.f32 [tilespmem:s12], [sflag:$0x5], $0x80, s19, s17, $0xb8;
	[tilespmem:$0x1E800] =	vst v63  }
0x121: {  	_ =	swait.ge [sflag:s14], $0x3E80  }
0x122: {  	[sflag:s14] =	ssyncset.done $0x0  }
0x123: {  	s19 =	simm.s32 $0x2000;
	[sflag:s14] =	ssyncadd.s32 $0xFFFFC180  }
0x124: {  	[tilespmem:s12], [sflag:$0x1] =	stream.indirect.gather [hbm4b:s5+s17], $0x80, s19, s17, $0xb8;
	[tilespmem:$0x1E800] =	vst v63  }
0x125: {  	_ =	swait.ge [sflag:s24], $0x3E80  }
0x126: {  	[sflag:s24] =	ssyncset.done $0x0  }
0x127: {  	s19 =	simm.s32 $0x1F80;
	[sflag:s24] =	ssyncadd.s32 $0xFFFFC180  }
0x128: {  	[spmem:s2] =	stream.indirect.scatter.add.f32 [tilespmem:s20], [sflag:$0x5], $0x80, s19, s17, $0xb8;
	[tilespmem:$0x1E800] =	vst v63  }
0x129: {  	_ =	swait.ge [sflag:s14], $0x3E80  }
0x12a: {  	[sflag:s14] =	ssyncset.done $0x0  }
0x12b: {  	s19 =	simm.s32 $0x2100;
	[sflag:s14] =	ssyncadd.s32 $0xFFFFC180  }
0x12c: {  	[tilespmem:s20], [sflag:$0x2] =	stream.indirect.gather [hbm4b:s5+s17], $0x80, s19, s17, $0xb8;
	[tilespmem:$0x1E800] =	vst v63  }
0x12d: {  	_ =	swait.ge [sflag:s21], $0x3E80  }
0x12e: {  	[sflag:s21] =	ssyncset.done $0x0  }
0x12f: {  	[sflag:s21] =	ssyncadd.s32 $0xFFFFC180  }
0x130: {  	[spmem:s2] =	stream.indirect.scatter.add.f32 [tilespmem:s12], [sflag:$0x5], $0x80, s22, s17, $0xb8;
	[tilespmem:$0x1E800] =	vst v63  }
0x131: {  	_ =	swait.ge [sflag:s14], $0x3E80  }
0x132: {  	[sflag:s14] =	ssyncset.done $0x0  }
0x133: {  	[sflag:s14] =	ssyncadd.s32 $0xFFFFC180  }
0x134: {  	[tilespmem:s12], [sflag:$0x1] =	stream.indirect.gather [hbm4b:s5+s17], $0x80, s23, s17, $0xb8;
	[tilespmem:$0x1E800] =	vst v63  }
0x135: {  	_ =	swait.ge [sflag:s24], $0x3E80  }
0x136: {  	[sflag:s24] =	ssyncset.done $0x0  }
0x137: {  	[sflag:s24] =	ssyncadd.s32 $0xFFFFC180  }
0x138: {  	[spmem:s2] =	stream.indirect.scatter.add.f32 [tilespmem:s20], [sflag:$0x5], $0x80, s25, s17, $0xb8;
	[tilespmem:$0x1E800] =	vst v63  }
0x139: {  	_ =	swait.ge [sflag:s14], $0x3E80  }
0x13a: {  	[sflag:s14] =	ssyncset.done $0x0  }
0x13b: {  	[sflag:s14] =	ssyncadd.s32 $0xFFFFC180  }
0x13c: {  	[tilespmem:s20], [sflag:$0x2] =	stream.indirect.gather [hbm4b:s5+s17], $0x80, s26, s17, $0xb8;
	[tilespmem:$0x1E800] =	vst v63  }
0x13d: {  	_ =	swait.ge [sflag:s21], $0x3E80  }
0x13e: {  	[sflag:s21] =	ssyncset.done $0x0  }
0x13f: {  	[sflag:s21] =	ssyncadd.s32 $0xFFFFC180  }
0x140: {  	[spmem:s2] =	stream.indirect.scatter.add.f32 [tilespmem:s12], [sflag:$0x5], $0x80, s29, s17, $0xb8;
	[tilespmem:$0x1E800] =	vst v63  }
0x141: {  	_ =	swait.ge [sflag:s14], $0x3E80  }
0x142: {  	[sflag:s14] =	ssyncset.done $0x0  }
0x143: {  	[sflag:s14] =	ssyncadd.s32 $0xFFFFC180  }
0x144: {  	[tilespmem:s12], [sflag:$0x1] =	stream.indirect.gather [hbm4b:s5+s17], $0x80, s30, s17, $0xb8;
	[tilespmem:$0x1E800] =	vst v63  }
0x145: {  	_ =	swait.ge [sflag:s24], $0x3E80  }
0x146: {  	[sflag:s24] =	ssyncset.done $0x0  }
0x147: {  	[sflag:s24] =	ssyncadd.s32 $0xFFFFC180  }
0x148: {  	[spmem:s2] =	stream.indirect.scatter.add.f32 [tilespmem:s20], [sflag:$0x5], $0x80, s31, s17, $0xb8;
	[tilespmem:$0x1E800] =	vst v63  }
0x149: {  	_ =	swait.ge [sflag:s14], $0x3E80  }
0x14a: {  	[sflag:s14] =	ssyncset.done $0x0  }
0x14b: {  	[sflag:s14] =	ssyncadd.s32 $0xFFFFC180  }
0x14c: {  	[tilespmem:s20], [sflag:$0x2] =	stream.indirect.gather [hbm4b:s5+s17], $0x80, s0, s17, $0xb8;
	[tilespmem:$0x1E800] =	vst v63  }
0x14d: {  	_ =	swait.ge [sflag:s21], $0x3E80  }
0x14e: {  	[sflag:s21] =	ssyncset.done $0x0  }
0x14f: {  	[sflag:s21] =	ssyncadd.s32 $0xFFFFC180  }
0x150: {  	[spmem:s2] =	stream.indirect.scatter.add.f32 [tilespmem:s12], [sflag:$0x5], $0x80, s3, s17, $0xb8;
	[tilespmem:$0x1E800] =	vst v63  }
0x151: {  	_ =	swait.ge [sflag:s14], $0x3E80  }
0x152: {  	[sflag:s14] =	ssyncset.done $0x0  }
0x153: {  	[sflag:s14] =	ssyncadd.s32 $0xFFFFC180  }
0x154: {  	[tilespmem:s12], [sflag:$0x1] =	stream.indirect.gather [hbm4b:s5+s17], $0x80, s1, s17, $0xb8;
	[tilespmem:$0x1E800] =	vst v63  }
0x155: {  	_ =	swait.ge [sflag:s24], $0x3E80  }
0x156: {  	[sflag:s24] =	ssyncset.done $0x0  }
0x157: {  	[sflag:s24] =	ssyncadd.s32 $0xFFFFC180  }
0x158: {  	[spmem:s2] =	stream.indirect.scatter.add.f32 [tilespmem:s20], [sflag:$0x5], $0x80, s11, s17, $0xb8;
	[tilespmem:$0x1E800] =	vst v63  }
0x159: {  	_ =	swait.ge [sflag:s14], $0x3E80  }
0x15a: {  	[sflag:s14] =	ssyncset.done $0x0  }
0x15b: {  	[sflag:s14] =	ssyncadd.s32 $0xFFFFC180  }
0x15c: {  	[tilespmem:s20], [sflag:$0x2] =	stream.indirect.gather [hbm4b:s5+s17], $0x80, s7, s17, $0xb8;
	[tilespmem:$0x1E800] =	vst v63  }
0x15d: {  	_ =	swait.ge [sflag:s21], $0x3E80  }
0x15e: {  	[sflag:s21] =	ssyncset.done $0x0  }
0x15f: {  	[sflag:s21] =	ssyncadd.s32 $0xFFFFC180  }
0x160: {  	[spmem:s2] =	stream.indirect.scatter.add.f32 [tilespmem:s12], [sflag:$0x5], $0x80, s8, s17, $0xb8;
	[tilespmem:$0x1E800] =	vst v63  }
0x161: {  	_ =	swait.ge [sflag:s14], $0x3E80  }
0x162: {  	[sflag:s14] =	ssyncset.done $0x0  }
0x163: {  	[sflag:s14] =	ssyncadd.s32 $0xFFFFC180  }
0x164: {  	_ =	swait.ge [sflag:s24], $0x3E80  }
0x165: {  	p1 =	por p0, p0;
	[sflag:s24] =	ssyncset.done $0x0  }
.Ltmp0:
0x166: {  	[sflag:s24] =	ssyncadd.s32 $0xFFFFC180;
	(pc) =	sbr.rel @p1 .LBB2_2-.Ltmp0, $4  }
0x167: {  	[spmem:s2] =	stream.indirect.scatter.add.f32 [tilespmem:s20], [sflag:$0x5], $0x80, s13, s17, $0xb8;
	[tilespmem:$0x1E800] =	vst v63  }
0x168: {  	_ =	swait.ge [sflag:s14], $0x3E80  }
0x169: {  	[sflag:s14] =	ssyncset.done $0x0  }
0x16a: {  	p0 =	por $0x0, $0x0;
	[sflag:s14] =	ssyncadd.s32 $0xFFFFC180  }
0x16b: {  	[bflag:$0x0] =	sbarrier.arrive $0xFFFF  }
0x16c: {  	s12 =	rddreg [dreg:$0x5]  }
0x16d: {  	s7 =	rddreg [dreg:$0x6]  }
0x16e: {  	s8 =	rddreg [dreg:$0x8]  }
0x16f: {  	[hbm:s7], [sflag:s12] =	dma.local [spmem:s8], $0x2800  }
0x170: {  	_ =	swait.ge [sflag:s14], $0x2800  }
0x171: {  	s0 =	rddreg [dreg:$0x9]  }
0x172: {  	s19 =	rddreg [dreg:$0x7];
	s0 =	sadd.s32 $0x1, s0  }
0x173: {  	p0 =	sne.s32 s0, s19  }
.Ltmp1:
0x174: {  	_ = 	snop;
	(pc) =	sbr.rel @p0 .LBB2_1-.Ltmp1, $3  }
0x175: {  	_ =	sdelay $0x1  }
0x176: {  	[sflag:s14] =	ssyncset.done $0x0  }
0x177: {  	[sflag:s14] =	ssyncadd.s32 $0xFFFFD800  }
0x178: {  	_ =	sfence.sel $0x180000  }
0x179: {  	[bflag:$0x0] =	sbarrier.arrive $0xFFFF  }
0x17a: {  	_ =	strace $0x9000004D  }
0x17b: {  	s0 =	stileid.u32;
	[bflag:$0x2] =	sbarrier.arrive $0xFFFF  }
0x17c: {  	p0 =	sne.s32 s0, $0x0;
	s0 =	rddreg [dreg:$0x3]  }
0x17d: {  	s0 =	sadd.s32 @!p0 $0x100000, s0  }
0x17e: {  	[sflag:s0] =	ssyncadd.tile.s32 @!p0 $0x1;
	_ =	shalt  }
.Lfunc_end2:
_tile_overlayer_lowered:
.L_overlay_start_2:
0x17f: {  	(tag) =	ssettag $0x2  }
0x180: {  	s0 =	rddreg [dreg:$0x0];
	s2 =	stileid.u32  }
0x181: {  	s1 =	rddreg [dreg:$0x1];
	p0 =	sne.s32 s2, $0x0  }
0x182: {  	s3 =	rddreg [dreg:$0x2];
	[bflag:$0x3] =	sbarrier.arrive $0xFFFF;
	s2 =	simm.s32 @!p0 $0x1C05  }
0x183: {  	[timem:s3], [sflag:s2] =	dma.local @!p0 [hbm:s0], s1  }
0x184: {  	s0 =	simm.s32 @!p0 $0x5  }
0x185: {  	_ =	swait.ge @!p0 [sflag:s0], s1  }
0x186: {  	s1 =	ssub.s32 @!p0 $0x0, s1;
	[sflag:s0] =	ssyncset.done @!p0 $0x0  }
0x187: {  	[sflag:s0] =	ssyncadd.s32 @!p0 s1  }
0x188: {  	[bflag:$0x3] =	sbarrier.arrive $0xFFFF  }
0x189: {  	_ =	shalt  }

// kernel: kernel.8.cloned.1.call-start
scs
__scs_entry_jumppad:
0x0: {  	(pc) =	sbr.rel $0x88, $3  }
0x1: {  	(tag) =	ssettag $0x0;
	lr =	simm.s32 $0x1  }
0x2: {  	[smem:$0x3F9D] =	sst lr;
	_ =	strace $0xD0000000  }
0x3: {  	_ = 	snop  }
0x4: {  	_ = 	snop  }
0x5: {  	_ = 	snop  }
0x6: {  	_ = 	snop  }
0x7: {  	_ = 	snop  }
__scs_overlays_trampoline_lowered:
0x8: {  	[smem:$0x3FAC] =	sst s0  }
0x9: {  	[smem:$0x3FAD] =	sst s1  }
0xa: {  	[smem:$0x3FAE] =	sst s2  }
0xb: {  	[smem:$0x3FAF] =	sst s3  }
0xc: {  	[smem:$0x3FB0] =	sst s4  }
0xd: {  	[smem:$0x3FB1] =	sst s5  }
0xe: {  	[smem:$0x3FB2] =	sst s6  }
0xf: {  	[smem:$0x3FB3] =	sst s7  }
0x10: {  	[smem:$0x3FB4] =	sst s8  }
0x11: {  	[smem:$0x3FB5] =	sst s9;
	s0 =	simm.s32 @!p0 $0x0  }
0x12: {  	s1 =	sld [smem:$0x3F9B];
	s0 =	simm.s32 @p0 $0x1  }
0x13: {  	[smem:$0x3FB6] =	sst s0;
	s0 =	simm.s32 @!p1 $0x0  }
0x14: {  	s2 =	sld [smem:$0x3F9A];
	s0 =	simm.s32 @p1 $0x1  }
0x15: {  	[smem:$0x3FB7] =	sst s0;
	s0 =	simm.s32 @!p2 $0x0  }
0x16: {  	s3 =	sld [smem:$0x3FDB];
	s0 =	simm.s32 @p2 $0x1  }
0x17: {  	s4 =	simm.s32 $0x1BF5;
	[smem:$0x3FB9] =	sst s0  }
0x18: {  	s0 =	sld [smem:$0x3F9C];
	_ =	swait.ge [sflag:s4], $0x0  }
0x19: {  	s7 =	sld [smem:$0x3F9D]  }
0x1a: {  	s8 =	sadd.s32 $0xFFFFE003, lr  }
0x1b: {  	s9 =	sadd.s32 $0xFFFFFEF7, lr;
	s5 =	simm.s32 $0xFFFFFFFF;
	p2 =	slt.u32 s8, $0xFFFFF086  }
0x1c: {  	p1 =	slt.u32 s9, $0xF7A;
	s5 =	simm.s32 @!p2 $0x0  }
0x1d: {  	s5 =	simm.s32 @p1 $0x1;
	p0 =	seq.s32 s7, s2  }
0x1e: {  	s7 =	smul.u32 @!p0 $0xF7A, s2;
	p2 =	seq.s32 @!p0 s5, $0x0  }
0x1f: {  	s9 =	smul.u32 $0xF7A, s1;
	s8 =	simm.s32 @!p0 $0x1BF5;
	p2 =	por !p2, p0  }
0x20: {  	[sflag:s8] =	ssyncset.s32 @!p0 $0xFFFFF086;
	s6 =	sadd.s32 @!p0 s3, s7;
	s7 =	simm.s32 @!p0 $0x108  }
0x21: {  	s3 =	sadd.s32 s3, s9;
	s6 =	sadd.s32 @!p0 $0x88, s6;
	s7 =	simm.s32 @p2 $0x1082  }
0x22: {  	[simem:s7], [sflag:s8] =	dma.local @!p0 [hbm:s6], $0xF7A  }
0x23: {  	s9 =	sor.u32 $0xD0000000, s2;
	s6 =	simm.s32 $0x108;
	_ =	swait.ge @!p0 [sflag:s8], $0x0  }
0x24: {  	s3 =	sadd.s32 $0x88, s3;
	s6 =	simm.s32 @!p1 $0x1082;
	[sflag:s4] =	ssyncset.s32 $0xFFFFF086  }
0x25: {  	[simem:s6], [sflag:s4] =	dma.local [hbm:s3], $0xF7A  }
0x26: {  	[smem:$0x3F9D] =	sst s1;
	(tag) =	ssettag s2;
	_ =	strace s9  }
0x27: {  	s1 =	sld [smem:$0x3FAD]  }
0x28: {  	s2 =	sld [smem:$0x3FAE]  }
0x29: {  	s4 =	sld [smem:$0x3FB0]  }
0x2a: {  	p0 =	seq.s32 s5, $0x0;
	s5 =	sld [smem:$0x3FB1]  }
0x2b: {  	s6 =	sld [smem:$0x3FB2]  }
0x2c: {  	s7 =	sld [smem:$0x3FB3]  }
0x2d: {  	s3 =	simm.s32 $0x108;
	s8 =	sld [smem:$0x3FB4]  }
0x2e: {  	s3 =	simm.s32 @!p0 $0x1082;
	s9 =	sld [smem:$0x3FB5]  }
0x2f: {  	lr =	sadd.s32 s0, s3;
	s0 =	sld [smem:$0x3FAC]  }
0x30: {  	s3 =	sld [smem:$0x3FAF]  }
0x31: {  	[smem:$0x3FB8] =	sst s10  }
0x32: {  	s10 =	sld [smem:$0x3FB6];
	_ =	sdelay $0x3  }
0x33: {  	p0 =	seq.s32 s10, $0x1;
	s10 =	sld [smem:$0x3FB8];
	_ =	sdelay $0x3  }
0x34: {  	[smem:$0x3FB8] =	sst s10  }
0x35: {  	s10 =	sld [smem:$0x3FB7];
	_ =	sdelay $0x3  }
0x36: {  	p1 =	seq.s32 s10, $0x1;
	s10 =	sld [smem:$0x3FB8];
	_ =	sdelay $0x3  }
0x37: {  	[smem:$0x3FB8] =	sst s10  }
0x38: {  	s10 =	sld [smem:$0x3FB9]  }
0x39: {  	_ = 	snop;
	(pc) =	sbr.ind lr, $3  }
0x3a: {  	_ = 	snop  }
0x3b: {  	_ = 	snop  }
0x3c: {  	p2 =	seq.s32 s10, $0x1;
	s10 =	sld [smem:$0x3FB8]  }
0x3d: {  	_ =	shalt  }
0x3e: {  	_ =	shalt  }
0x3f: {  	_ =	shalt  }
0x40: {  	_ =	shalt  }
0x41: {  	_ =	shalt  }
0x42: {  	_ =	shalt  }
0x43: {  	_ =	shalt  }
0x44: {  	_ =	shalt  }
0x45: {  	_ =	shalt  }
0x46: {  	_ =	shalt  }
0x47: {  	_ =	shalt  }
0x48: {  	_ =	shalt  }
0x49: {  	_ =	shalt  }
0x4a: {  	_ =	shalt  }
0x4b: {  	_ =	shalt  }
0x4c: {  	_ =	shalt  }
0x4d: {  	_ =	shalt  }
0x4e: {  	_ =	shalt  }
0x4f: {  	_ =	shalt  }
0x50: {  	_ =	shalt  }
0x51: {  	_ =	shalt  }
0x52: {  	_ =	shalt  }
0x53: {  	_ =	shalt  }
0x54: {  	_ =	shalt  }
0x55: {  	_ =	shalt  }
0x56: {  	_ =	shalt  }
0x57: {  	_ =	shalt  }
0x58: {  	_ =	shalt  }
0x59: {  	_ =	shalt  }
0x5a: {  	_ =	shalt  }
0x5b: {  	_ =	shalt  }
0x5c: {  	_ =	shalt  }
0x5d: {  	_ =	shalt  }
0x5e: {  	_ =	shalt  }
0x5f: {  	_ =	shalt  }
0x60: {  	_ =	shalt  }
0x61: {  	_ =	shalt  }
0x62: {  	_ =	shalt  }
0x63: {  	_ =	shalt  }
0x64: {  	_ =	shalt  }
0x65: {  	_ =	shalt  }
0x66: {  	_ =	shalt  }
0x67: {  	_ =	shalt  }
0x68: {  	_ =	shalt  }
0x69: {  	_ =	shalt  }
0x6a: {  	_ =	shalt  }
0x6b: {  	_ =	shalt  }
0x6c: {  	_ =	shalt  }
0x6d: {  	_ =	shalt  }
0x6e: {  	_ =	shalt  }
0x6f: {  	_ =	shalt  }
0x70: {  	_ =	shalt  }
0x71: {  	_ =	shalt  }
0x72: {  	_ =	shalt  }
0x73: {  	_ =	shalt  }
0x74: {  	_ =	shalt  }
0x75: {  	_ =	shalt  }
0x76: {  	_ =	shalt  }
0x77: {  	_ =	shalt  }
0x78: {  	_ =	shalt  }
0x79: {  	_ =	shalt  }
0x7a: {  	_ =	shalt  }
0x7b: {  	_ =	shalt  }
0x7c: {  	_ =	shalt  }
0x7d: {  	_ =	shalt  }
0x7e: {  	_ =	shalt  }
0x7f: {  	_ =	shalt  }
0x80: {  	_ =	shalt  }
0x81: {  	_ =	shalt  }
0x82: {  	_ =	shalt  }
0x83: {  	_ =	shalt  }
0x84: {  	_ =	shalt  }
0x85: {  	_ =	shalt  }
0x86: {  	_ =	shalt  }
0x87: {  	_ =	shalt  }
.Lfunc_end0:
.L_simem_size_0:
called_computation_lowered:
.L_overlay_start_0:
0x88: {  	s2 =	sld [smem:$0x3FD9]  }
0x89: {  	s3 =	sld [smem:$0x3FFE];
	_ =	sdelay $0x1  }
0x8a: {  	s1 =	srdreg.scid  }
0x8b: {  	s0 =	sand.u32 $0x1, s1  }
0x8c: {  	s17 =	sshll.u32 s0, $0xA;
	s2 =	sadd.s32 s3, s2  }
0x8d: {  	s2 =	sadd.s32 s2, s17  }
0x8e: {  	[smem:$0x3FC4] =	sst s2  }
0x8f: {  	_ = 	snop  }
0x90: {  	s2 =	sld [smem:$0x3FD0];
	(tm) =	ssettm $0x1  }
0x91: {  	s18 =	sld [smem:$0x3FFB];
	_ =	sdelay $0x3  }
0x92: {  	_ =	strace s18  }
0x93: {  	s3 =	sld [smem:$0x3FFC];
	_ =	sdelay $0x3  }
0x94: {  	_ =	strace s3  }
0x95: {  	s3 =	sld [smem:$0x3FFD];
	_ =	sdelay $0x3  }
0x96: {  	_ =	strace s3  }
0x97: {  	_ =	strace $0x8FFFFFFF  }
0x98: {  	s19 =	sld [smem:$0x3FDB];
	_ =	sdelay $0x1  }
0x99: {  	s4 =	simm.s32 $_scs_section_size  }
0x9a: {  	s5 =	simm.s32 $_size__tile_overlayer_lowered;
	s6 =	simm.s32 $_tile_overlayer_lowered  }
0x9b: {  	s22 =	simm.s32 $0x1BFF;
	s21 =	sshll.u32 s6, $0x1;
	s3 =	sadd.s32 s4, s19  }
0x9c: {  	s7 =	simm.s32 $0x0;
	s20 =	sshll.u32 s5, $0x1;
	s5 =	sadd.s32 s21, s3  }
0x9d: {  	[timem:s7], [sflag:s22] =	dma.local [hbm:s5], s20  }
0x9e: {  	_ =	swait.ge [sflag:s22], s20  }
0x9f: {  	s4 =	ssub.s32 $0x0, s20;
	[sflag:s22] =	ssyncset.done $0x0  }
0xa0: {  	[sflag:s22] =	ssyncadd.s32 s4;
	_ =	sdelay $0x1  }
0xa1: {  	s23 =	simm.s32 $0x1B8B  }
0xa2: {  	_ =	swait.ge [sflag:s23], $0x1  }
0xa3: {  	[sflag:s23] =	ssyncset.done $0x0  }
0xa4: {  	s25 =	simm.s32 $0x1B8E;
	s24 =	sld [smem:$0x3FFE];
	[sflag:s23] =	ssyncadd.s32 $0xFFFFFFFF  }
0xa5: {  	s26 =	simm.s32 $execute0_lowered;
	[smem:$0x3FD2] =	sst s25  }
0xa6: {  	s5 =	sshll.u32 s26, $0x1;
	_ =	strace $0x80000046;
	[dreg:$0x1] =	wrdreg $0xFFFFFFFF  }
0xa7: {  	s28 =	simm.s32 $_size_execute0_lowered;
	s3 =	sadd.s32 s3, s5;
	[dreg:$0x0] =	wrdreg $0x0  }
0xa8: {  	s5 =	sshll.u32 s28, $0x1;
	[dreg:$0x2] =	wrdreg s3  }
0xa9: {  	[dreg:$0x3] =	wrdreg s5  }
0xaa: {  	[dreg:$0x4] =	wrdreg $0xC0  }
0xab: {  	_ =	task [dreg:s7], $0x5FFFF  }
0xac: {  	[dreg:$0x1] =	wrdreg $0xFFFFFFFF  }
0xad: {  	[dreg:$0x0] =	wrdreg $0x60  }
0xae: {  	[dreg:$0x2] =	wrdreg s2  }
0xaf: {  	[dreg:$0x3] =	wrdreg s24  }
0xb0: {  	[dreg:$0x4] =	wrdreg $0x2FD00  }
0xb1: {  	[dreg:$0x5] =	wrdreg $0x9  }
0xb2: {  	_ =	task.clear_ibuf [dreg:s7], $0x6FFFF;
	_ =	strace $0x90000046  }
0xb3: {  	s29 =	simm.s32 $0x9;
	_ =	strace $0x80000048  }
0xb4: {  	_ =	swait.ge [sflag:s29], $0x1  }
0xb5: {  	[sflag:s29] =	ssyncadd.s32 $0xFFFFFFFF  }
0xb6: {  	_ =	strace $0x90000048  }
0xb7: {  	_ =	sfence  }
0xb8: {  	s30 =	sld [smem:$0x0];
	_ =	sdelay $0x2  }
0xb9: {  	s31 =	sshll.u32 s1, $0xD;
	s1 =	sshrl.u32 s1, $0x2  }
0xba: {  	s3 =	sand.u32 $0x4000, s31;
	s1 =	sadd.s32 s1, s30  }
0xbb: {  	s0 =	sor.u32 s3, s0;
	s1 =	sshll.u32 s1, $0x11  }
0xbc: {  	s0 =	sor.u32 s1, s0  }
0xbd: {  	s0 =	sadd.s32 $0x8F2B, s0  }
0xbe: {  	[sflag:s0] =	ssyncadd.remote.s32 $0x1  }
0xbf: {  	_ =	sfence.sel $0xFFFF  }
0xc0: {  	[dreg:$0x0] =	wrdreg $0xFFFFFFFF;
	(pc) =	sbr.abs _section_cstart, $3  }
0xc1: {  	[dreg:$0x1] =	wrdreg $0xFFFFFFFF  }
0xc2: {  	_ =	task.clear_ibuf [dreg:s7], $0x2FFFF;
	_ =	strace $0x9FFFFFFF  }
0xc3: {  	(tm) =	ssettm $0x7FFFFFFF  }
tec
execute0_lowered:
.L_overlay_start_1:
0x0: {  	(tag) =	ssettag $0x1  }
0x1: {  	s6 =	rddreg [dreg:$0x0]  }
0x2: {  	s7 =	rddreg [dreg:$0x1]  }
0x3: {  	s2 =	rddreg [dreg:$0x2]  }
0x4: {  	s0 =	rddreg [dreg:$0x3]  }
0x5: {  	s4 =	srdreg.scid;
	s1 =	stileid.u32;
	s3 =	simm.s32 $0x0  }
0x6: {  	s13 =	simm.s32 $0x7D;
	s14 =	simm.s32 $0x0;
	s5 =	sand.u32 $0x1, s4  }
0x7: {  	s8 =	smul.u32 $0x2800, s1;
	[smem:$0x7FF] =	sst s3;
	s4 =	sadd.s32 $0x1E00, s7  }
0x8: {  	s31 =	sshll.u32 s1, $0x6;
	s9 =	smul.u32 $0x28000, s5;
	_ =	strace $0x80000047  }
0x9: {  	s10 =	sshll.u32 s5, $0x4;
	s11 =	ssub.s32 $0x2, s5;
	s5 =	sadd.s32 $0x2000, s7  }
0xa: {  	s10 =	sor.u32 s1, s10;
	s30 =	sshrl.u32 s11, $0x1;
	s9 =	sadd.s32 s8, s9  }
0xb: {  	s12 =	sadd.s32 s8, s2;
	s10 =	smul.u32 $0x500, s10;
	s9 =	sshrl.u32 s9, $0x3  }
0xc: {  	s12 =	sshrl.u32 s12, $0x3;
	s7 =	sadd.s32 s9, s7;
	s9 =	ssub.s32 s11, s30  }
0xd: {  	s6 =	sadd.s32 s6, s10;
	s10 =	simm.s32 $0x2800;
	s11 =	sor.u32 $0x1C01, s31  }
0xe: {  	s7 =	sadd.s32 $0x2600, s7;
	s8 =	smax.u32 s9, $0x1;
	s9 =	simm.s32 $0x1  }
.LBB2_1:
0xf: {  	[tilespmem:s3], [sflag:$0x1] =	stream.linear.gather [hbm4b:s6+s3], $0x2800, $0x38;
	[tilespmem:$0x57D0] =	vst v63  }
0x10: {  	_ =	swait.ge [sflag:s9], $0x2800  }
0x11: {  	[sflag:s9] =	ssyncset.done $0x0  }
0x12: {  	[sflag:s9] =	ssyncadd.s32 $0xFFFFD800  }
0x13: {  	[tilespmem:s10], [sflag:$0x1] =	stream.linear.gather [hbm4b:s4+s3], $0x7D0, $0x38;
	[tilespmem:$0x57D0] =	vst v63  }
0x14: {  	_ =	swait.ge [sflag:s9], $0x7D0  }
0x15: {  	[sflag:s9] =	ssyncset.done $0x0  }
0x16: {  	[sflag:s9] =	ssyncadd.s32 $0xFFFFF830  }
0x17: {  	[spmem:s12], [sflag:s11] =	dma.local [hbm:s5], $0x500  }
0x18: {  	_ =	swait.ge [sflag:s9], $0x500  }
0x19: {  	[sflag:s9] =	ssyncset.done $0x0  }
0x1a: {  	[sflag:s9] =	ssyncadd.s32 $0xFFFFFB00  }
0x1b: {  	s15 =	simm.s32 $0x0;
	[bflag:$0x0] =	sbarrier.arrive $0xFFFF  }
0x1c: {  	[spmem:s2] =	stream.indirect.scatter.add.f32 [tilespmem:s10], [sflag:$0x1], $0x10, s15, s13, $0xb8;
	[tilespmem:$0x57D0] =	vst v63  }
0x1d: {  	_ =	swait.ge [sflag:s9], $0x7D0  }
0x1e: {  	s15 =	simm.s32 $0x200;
	[sflag:s9] =	ssyncset.done $0x0  }
.LBB2_2:
0x1f: {  	s16 =	sshra.s32 s15, $0x2;
	[sflag:s9] =	ssyncadd.s32 $0xFFFFF830;
	p0 =	sne.s32 s15, $0x9E00  }
0x20: {  	[spmem:s2] =	stream.indirect.scatter.add.f32 [tilespmem:s10], [sflag:$0x1], $0x10, s16, s13, $0xb8;
	[tilespmem:$0x57D0] =	vst v63  }
.Ltmp0:
0x21: {  	_ = 	snop;
	(pc) =	sbr.rel @p0 .LBB2_2-.Ltmp0, $4  }
0x22: {  	_ = 	snop  }
0x23: {  	s15 =	sadd.s32 $0x200, s15  }
0x24: {  	_ =	swait.ge [sflag:s9], $0x7D0  }
0x25: {  	[sflag:s9] =	ssyncset.done $0x0  }
0x26: {  	s14 =	sadd.s32 $0x1, s14  }
0x27: {  	[sflag:s9] =	ssyncadd.s32 $0xFFFFF830;
	p0 =	sne.s32 s14, s8  }
.Ltmp1:
0x28: {  	[bflag:$0x0] =	sbarrier.arrive $0xFFFF;
	(pc) =	sbr.rel @p0 .LBB2_1-.Ltmp1, $4  }
0x29: {  	[hbm:s7], [sflag:s11] =	dma.local [spmem:s12], $0x500  }
0x2a: {  	_ =	swait.ge [sflag:s9], $0x500  }
0x2b: {  	[sflag:s9] =	ssyncset.done $0x0  }
0x2c: {  	[sflag:s9] =	ssyncadd.s32 $0xFFFFFB00  }
0x2d: {  	_ =	sfence.sel $0x180000  }
0x2e: {  	[bflag:$0x0] =	sbarrier.arrive $0xFFFF  }
0x2f: {  	p0 =	sne.s32 s1, $0x0;
	_ =	strace $0x90000047  }
0x30: {  	s0 =	sadd.s32 @!p0 $0x100000, s0;
	[bflag:$0x2] =	sbarrier.arrive $0xFFFF  }
0x31: {  	[sflag:s0] =	ssyncadd.tile.s32 @!p0 $0x1;
	_ =	shalt  }
.Lfunc_end2:
_tile_overlayer_lowered:
.L_overlay_start_2:
0x32: {  	(tag) =	ssettag $0x2  }
0x33: {  	s0 =	rddreg [dreg:$0x0];
	s2 =	stileid.u32  }
0x34: {  	s1 =	rddreg [dreg:$0x1];
	p0 =	sne.s32 s2, $0x0  }
0x35: {  	s3 =	rddreg [dreg:$0x2];
	[bflag:$0x3] =	sbarrier.arrive $0xFFFF;
	s2 =	simm.s32 @!p0 $0x1C01  }
0x36: {  	[timem:s3], [sflag:s2] =	dma.local @!p0 [hbm:s0], s1  }
0x37: {  	s0 =	simm.s32 @!p0 $0x1  }
0x38: {  	_ =	swait.ge @!p0 [sflag:s0], s1  }
0x39: {  	s1 =	ssub.s32 @!p0 $0x0, s1;
	[sflag:s0] =	ssyncset.done @!p0 $0x0  }
0x3a: {  	[sflag:s0] =	ssyncadd.s32 @!p0 s1  }
0x3b: {  	[bflag:$0x3] =	sbarrier.arrive $0xFFFF  }
0x3c: {  	_ =	shalt  }

</sc_bundles>
